<compile_context>
chip_gen: v7x
topology: tpu7x:2x2x1
jax: 0.10.2.dev20260603
libtpu: 0.0.44.dev20260713+nightly
codegen_flags: <defaults>
</compile_context>

<pallas_src>
import jax
import jax.numpy as jnp
from jax import lax
from jax.experimental import pallas as pl


def _lrelu(x):
    return jnp.where(x >= 0, x, 0.01 * x)


def _s1a_body(x_ref, w1_ref, w2_ref, out_ref):
    x = x_ref[0]
    w1 = w1_ref[0]
    w2 = w2_ref[0]
    h1 = _lrelu(jnp.dot(w1, x, preferred_element_type=jnp.float32))
    h2 = _lrelu(jnp.dot(w2, h1, preferred_element_type=jnp.float32))
    out_ref[0] = h2


def _s1b_body(flat_ref, w3_ref, out_ref):
    out_ref[...] = jnp.dot(w3_ref[...], flat_ref[...],
                           preferred_element_type=jnp.float32)


def _argmax_rows(y):
    m = jnp.max(y, axis=0, keepdims=True)
    ri = lax.broadcasted_iota(jnp.int32, y.shape, 0)
    return jnp.min(jnp.where(y == m, ri, jnp.int32(2147483647)), axis=0)


def _expert_mlp(xr, e, w1r, w2r, w3r, n_experts):
    ci, P = xr.shape
    oh = (lax.broadcasted_iota(jnp.int32, (n_experts, P), 0)
          == e[None, :]).astype(jnp.float32)
    w1s = lax.dot_general(w1r, oh, (((0,), (0,)), ((), ())),
                          preferred_element_type=jnp.float32)
    y = jnp.sum((w1s * jnp.reshape(
        jnp.broadcast_to(xr[:, None, :], (ci, 32, P)), (ci * 32, P))
    ).reshape(ci, 32, P), axis=0)
    y = _lrelu(y)
    w2s = lax.dot_general(w2r, oh, (((0,), (0,)), ((), ())),
                          preferred_element_type=jnp.float32)
    y = _lrelu(jnp.sum((w2s * jnp.reshape(
        jnp.broadcast_to(y[:, None, :], (32, 32, P)), (1024, P))
    ).reshape(32, 32, P), axis=0))
    w3s = lax.dot_general(w3r, oh, (((0,), (0,)), ((), ())),
                          preferred_element_type=jnp.float32)
    y3 = jnp.sum((w3s * jnp.reshape(
        jnp.broadcast_to(y[:, None, :], (32, 32, P)), (1024, P))
    ).reshape(32, 32, P), axis=0)
    return y3


def _s23_body(o_ref, x_ref, a1_ref, a2_ref, a3_ref,
              b1_ref, b2_ref, b3_ref, out_ref):
    xr = x_ref[0]
    orow = o_ref[...]
    e1 = _argmax_rows(orow)

    y = _expert_mlp(xr, e1, a1_ref[0], a2_ref[0], a3_ref[0], 16)
    i2 = _argmax_rows(y)
    inds12 = e1 * 16 + (i2 - 8)
    e12 = jnp.clip(inds12, 0, 255)

    y = _expert_mlp(xr, e12, b1_ref[0], b2_ref[0], b3_ref[0], 256)
    i3 = _argmax_rows(y)
    out_ref[0, 0, :] = jnp.clip(inds12 * 16 + (i3 - 8), 0, 4095)


def kernel(x_in, W1, b1, W2, b2, W3, b3, A1w, A1b, A2w, A2b, A3w, A3b,
           B1w, B1b, B2w, B2b, B3w, B3b):
    bs, ch_in, height, width = x_in.shape
    lat = W1.shape[1]
    c0 = 16

    xrows = jnp.transpose(x_in, (0, 2, 1, 3)).reshape(height, ch_in, width)
    h2 = pl.pallas_call(
        _s1a_body,
        grid=(height,),
        in_specs=[
            pl.BlockSpec((1, ch_in, width), lambda r: (r, 0, 0)),
            pl.BlockSpec((1, lat, ch_in), lambda r: (r, 0, 0)),
            pl.BlockSpec((1, lat, lat), lambda r: (r, 0, 0)),
        ],
        out_specs=pl.BlockSpec((1, lat, width), lambda r: (r, 0, 0)),
        out_shape=jax.ShapeDtypeStruct((height, lat, width), jnp.float32),
    )(xrows, W1, W2)

    flat = h2.reshape(height * lat, width)
    o = pl.pallas_call(
        _s1b_body,
        out_shape=jax.ShapeDtypeStruct((height * c0, width), jnp.float32),
    )(flat, W3)

    a1 = A1w.reshape(height, c0, ch_in * 32)
    a2 = A2w.reshape(height, c0, 32 * 32)
    a3 = A3w.reshape(height, c0, 32 * 32)
    b1r = B1w.reshape(height, 256, ch_in * 32)
    b2r = B2w.reshape(height, 256, 32 * 32)
    b3r = B3w.reshape(height, 256, 32 * 32)

    out = pl.pallas_call(
        _s23_body,
        grid=(height,),
        in_specs=[
            pl.BlockSpec((c0, width), lambda r: (r, 0)),
            pl.BlockSpec((1, ch_in, width), lambda r: (r, 0, 0)),
            pl.BlockSpec((1, c0, ch_in * 32), lambda r: (r, 0, 0)),
            pl.BlockSpec((1, c0, 32 * 32), lambda r: (r, 0, 0)),
            pl.BlockSpec((1, c0, 32 * 32), lambda r: (r, 0, 0)),
            pl.BlockSpec((1, 256, ch_in * 32), lambda r: (r, 0, 0)),
            pl.BlockSpec((1, 256, 32 * 32), lambda r: (r, 0, 0)),
            pl.BlockSpec((1, 256, 32 * 32), lambda r: (r, 0, 0)),
        ],
        out_specs=pl.BlockSpec((1, 1, width), lambda r: (r, 0, 0)),
        out_shape=jax.ShapeDtypeStruct((height, 1, width), jnp.int32),
    )(o, xrows, a1, a2, a3, b1r, b2r, b3r)

    return out.reshape(bs, 1, height, width)

# --- scband reference (transcript-rebuilt; emitter-appended) ---
"""Pipeline reference for scband-classifier3-stage-15281493639427 (READ-ONLY COPY).

The authoritative reference and input builder live on the scoring server;
editing this copy changes nothing except your own understanding.
"""

import jax, jax.numpy as jnp
import numpy as np


def _condmul(x, inds, W, b):
    # y[n] = x[n] @ W[inds[n]] + b[inds[n]]
    Wg = jnp.take(W, inds, axis=0)  # [N, ci, co]
    bg = jnp.take(b, inds, axis=0)  # [N, co]
    return jnp.einsum('ni,nio->no', x, Wg) + bg


def setup_inputs(seed: int = 0):
    key = jax.random.key(seed)
    ks = jax.random.split(key, 16)
    bs, ch_in, height, width = 1, 128, 96, 384
    c0, c12, lat = 16, 256, 32

    def nrm(k, shape, fan_in):
        return jax.random.normal(k, shape, jnp.float32) * (1.0 / np.sqrt(fan_in))

    inp = {}
    inp['x_in'] = jax.random.normal(ks[0], (bs, ch_in, height, width), jnp.float32)
    # stage-1 grouped 1x1 convs (per scanline) + dense head
    inp['W1'] = nrm(ks[1], (height, lat, ch_in), ch_in)
    inp['b1'] = jnp.zeros((height, lat), jnp.float32)
    inp['W2'] = nrm(ks[2], (height, lat, lat), lat)
    inp['b2'] = jnp.zeros((height, lat), jnp.float32)
    inp['W3'] = nrm(ks[3], (height * c0, height * lat), height * lat)
    inp['b3'] = jnp.zeros((height * c0,), jnp.float32)
    # stage-2 CondMul tables (height*classes[0] experts)
    inp['A1w'] = nrm(ks[4], (height * c0, ch_in, lat), ch_in)
    inp['A1b'] = jnp.zeros((height * c0, lat), jnp.float32)
    inp['A2w'] = nrm(ks[5], (height * c0, lat, lat), lat)
    inp['A2b'] = jnp.zeros((height * c0, lat), jnp.float32)
    inp['A3w'] = nrm(ks[6], (height * c0, lat, 32), lat)  # classes[1]+2*pad[1]=32
    inp['A3b'] = jnp.zeros((height * c0, 32), jnp.float32)
    # stage-3 CondMul tables (height*classes[0]*classes[1] experts)
    inp['B1w'] = nrm(ks[7], (height * c12, ch_in, lat), ch_in)
    inp['B1b'] = jnp.zeros((height * c12, lat), jnp.float32)
    inp['B2w'] = nrm(ks[8], (height * c12, lat, lat), lat)
    inp['B2b'] = jnp.zeros((height * c12, lat), jnp.float32)
    inp['B3w'] = nrm(ks[9], (height * c12, lat, 32), lat)  # classes[2]+2*pad[2]=32
    inp['B3b'] = jnp.zeros((height * c12, 32), jnp.float32)
    return inp


def reference(x_in, W1, b1, W2, b2, W3, b3, A1w, A1b, A2w, A2b, A3w, A3b, B1w, B1b, B2w, B2b, B3w, B3b):
    bs, ch_in, height, width = x_in.shape
    c0, c1, c2 = 16, 16, 16
    pad1, pad2 = 8, 8
    c12 = c0 * c1
    c123 = c12 * c2
    lrelu = jax.nn.leaky_relu
    offsets = jnp.arange(height, dtype=jnp.int32).reshape(1, 1, height, 1)

    # stage 1: grouped-per-row 1x1 convs, then dense 1x1 conv
    xh = jnp.transpose(x_in, (0, 2, 1, 3))  # [bs, h, c, w]
    h1 = lrelu(jnp.einsum('bhcw,hoc->bhow', xh, W1) + b1[None, :, :, None])
    h2 = lrelu(jnp.einsum('bhcw,hoc->bhow', h1, W2) + b2[None, :, :, None])
    flat = h2.reshape(bs, height * h2.shape[2], width)  # channel = h*32 + o
    o = jnp.einsum('bkw,ok->bow', flat, W3) + b3[None, :, None]
    x1 = o.reshape(bs, height, c0, width).transpose(0, 2, 1, 3)  # [bs, c0, h, w]

    inds1 = jnp.argmax(x1, axis=1)[:, None]  # [bs,1,h,w]
    inds1_l = (inds1.astype(jnp.int32) + c0 * offsets).reshape(-1)
    x_l = jnp.transpose(x_in, (0, 2, 3, 1)).reshape(-1, ch_in)  # [N, ch_in]

    # stage 2: conditional expert MLP indexed by inds1
    y = lrelu(_condmul(x_l, inds1_l, A1w, A1b))
    y = lrelu(_condmul(y, inds1_l, A2w, A2b))
    y = _condmul(y, inds1_l, A3w, A3b)
    inds2 = jnp.argmax(y, axis=1).reshape(bs, 1, height, width)
    inds12 = inds1 * c1 + (inds2 - pad1)
    inds12_l = (jnp.clip(inds12, 0, c12 - 1) + c12 * offsets).astype(jnp.int32).reshape(-1)

    # stage 3: conditional expert MLP indexed by inds12
    y = lrelu(_condmul(x_l, inds12_l, B1w, B1b))
    y = lrelu(_condmul(y, inds12_l, B2w, B2b))
    y = _condmul(y, inds12_l, B3w, B3b)
    inds3 = jnp.argmax(y, axis=1).reshape(bs, 1, height, width)
    inds123_real = jnp.clip(inds12 * c2 + (inds3 - pad2), 0, c123 - 1)
    return inds123_real

if __name__ == "__main__":
    import jax
    _d = setup_inputs()
    print(jax.jit(kernel)(*tuple(_d.values())))

</pallas_src>

<mosaic_0001>
module attributes {stable_mosaic.version = 14 : i64} {
  func.func @_s1a_body(%arg0: i32, %arg1: memref<1x128x384xf32, #tpu.memory_space<vmem>>, %arg2: memref<1x32x128xf32, #tpu.memory_space<vmem>>, %arg3: memref<1x32x32xf32, #tpu.memory_space<vmem>>, %arg4: memref<1x32x384xf32, #tpu.memory_space<vmem>>) attributes {dimension_semantics = [#tpu.dimension_semantics<arbitrary>], iteration_bounds = array<i64: 96>, scalar_prefetch = 0 : i64, scratch_operands = 0 : i64, tpu.core_type = #tpu.core_type<tc>, window_params = [{transform_indices = @transform_0, window_bounds = array<i64: 1, 128, 384>}, {transform_indices = @transform_1, window_bounds = array<i64: 1, 32, 128>}, {transform_indices = @transform_2, window_bounds = array<i64: 1, 32, 32>}, {transform_indices = @transform_3, window_bounds = array<i64: 1, 32, 384>}]} {
    %get3A = arith.constant 0 : index
    %get3A_0 = arith.constant 0 : index
    %get3A_1 = arith.constant 0 : index
    %get3A_2 = vector.load %arg1[%get3A, %get3A_0, %get3A_1] : memref<1x128x384xf32, #tpu.memory_space<vmem>>, vector<1x128x384xf32>
    %get3A_3 = vector.shape_cast %get3A_2 : vector<1x128x384xf32> to vector<128x384xf32>
    %get3A_4 = arith.constant 0 : index
    %get3A_5 = arith.constant 0 : index
    %get3A_6 = arith.constant 0 : index
    %get3A_7 = vector.load %arg2[%get3A_4, %get3A_5, %get3A_6] : memref<1x32x128xf32, #tpu.memory_space<vmem>>, vector<1x32x128xf32>
    %get3A_8 = vector.shape_cast %get3A_7 : vector<1x32x128xf32> to vector<32x128xf32>
    %get3A_9 = arith.constant 0 : index
    %get3A_10 = arith.constant 0 : index
    %get3A_11 = arith.constant 0 : index
    %get3A_12 = vector.load %arg3[%get3A_9, %get3A_10, %get3A_11] : memref<1x32x32xf32, #tpu.memory_space<vmem>>, vector<1x32x32xf32>
    %get3A_13 = vector.shape_cast %get3A_12 : vector<1x32x32xf32> to vector<32x32xf32>
    %dot_general3A = arith.constant dense<0.000000e+00> : vector<32x384xf32>
    %dot_general3A_14 = tpu.matmul %get3A_8, %get3A_3, %dot_general3A {dimension_numbers = #tpu.dot_dimension_numbers<[1], [0], [0], [1], [0, 0, 1, 1], [], []>, transpose_lhs_hint = false} : vector<32x128xf32>, vector<128x384xf32>, vector<32x384xf32> -> vector<32x384xf32>
    %ge3A = arith.constant 0.000000e+00 : f32
    %ge3A_15 = vector.broadcast %ge3A : f32 to vector<32x384xf32>
    %ge3A_16 = arith.cmpf oge, %dot_general3A_14, %ge3A_15 : vector<32x384xf32>
    %mul3A = arith.constant 0.00999999977 : f32
    %mul3A_17 = vector.broadcast %mul3A : f32 to vector<32x384xf32>
    %mul3A_18 = arith.mulf %mul3A_17, %dot_general3A_14 : vector<32x384xf32>
    %select_n3A = arith.select %ge3A_16, %dot_general3A_14, %mul3A_18 : vector<32x384xi1>, vector<32x384xf32>
    %dot_general3A_19 = arith.constant dense<0.000000e+00> : vector<32x384xf32>
    %dot_general3A_20 = tpu.matmul %get3A_13, %select_n3A, %dot_general3A_19 {dimension_numbers = #tpu.dot_dimension_numbers<[1], [0], [0], [1], [0, 0, 1, 1], [], []>, transpose_lhs_hint = false} : vector<32x32xf32>, vector<32x384xf32>, vector<32x384xf32> -> vector<32x384xf32>
    %ge3A_21 = arith.constant 0.000000e+00 : f32
    %ge3A_22 = vector.broadcast %ge3A_21 : f32 to vector<32x384xf32>
    %ge3A_23 = arith.cmpf oge, %dot_general3A_20, %ge3A_22 : vector<32x384xf32>
    %mul3A_24 = arith.constant 0.00999999977 : f32
    %mul3A_25 = vector.broadcast %mul3A_24 : f32 to vector<32x384xf32>
    %mul3A_26 = arith.mulf %mul3A_25, %dot_general3A_20 : vector<32x384xf32>
    %select_n3A_27 = arith.select %ge3A_23, %dot_general3A_20, %mul3A_26 : vector<32x384xi1>, vector<32x384xf32>
    %swap3A = arith.constant 0 : index
    %swap3A_28 = arith.constant 0 : index
    %swap3A_29 = arith.constant 0 : index
    %swap3A_30 = vector.load %arg4[%swap3A, %swap3A_28, %swap3A_29] : memref<1x32x384xf32, #tpu.memory_space<vmem>>, vector<1x32x384xf32>
    %swap3A_31 = vector.shape_cast %swap3A_30 : vector<1x32x384xf32> to vector<32x384xf32>
    %swap3A_32 = vector.shape_cast %select_n3A_27 : vector<32x384xf32> to vector<1x32x384xf32>
    tpu.vector_store %arg4[%swap3A, %swap3A_28, %swap3A_29], %swap3A_32 {strides = array<i32>} : memref<1x32x384xf32, #tpu.memory_space<vmem>>, vector<1x32x384xf32>,
    return
  }
  func.func @transform_0(%arg0: i32) -> (i32, i32, i32) {
    %c0_i32 = arith.constant 0 : i32
    %c0_i32_0 = arith.constant 0 : i32
    %c0_i32_1 = arith.constant 0 : i32
    return %arg0, %c0_i32, %c0_i32_0 : i32, i32, i32
  }
  func.func @transform_1(%arg0: i32) -> (i32, i32, i32) {
    %c0_i32 = arith.constant 0 : i32
    %c0_i32_0 = arith.constant 0 : i32
    %c0_i32_1 = arith.constant 0 : i32
    return %arg0, %c0_i32, %c0_i32_0 : i32, i32, i32
  }
  func.func @transform_2(%arg0: i32) -> (i32, i32, i32) {
    %c0_i32 = arith.constant 0 : i32
    %c0_i32_0 = arith.constant 0 : i32
    %c0_i32_1 = arith.constant 0 : i32
    return %arg0, %c0_i32, %c0_i32_0 : i32, i32, i32
  }
  func.func @transform_3(%arg0: i32) -> (i32, i32, i32) {
    %c0_i32 = arith.constant 0 : i32
    %c0_i32_0 = arith.constant 0 : i32
    %c0_i32_1 = arith.constant 0 : i32
    return %arg0, %c0_i32, %c0_i32_0 : i32, i32, i32
  }
}

module attributes {stable_mosaic.version = 14 : i64} {
  func.func @_s1b_body(%arg0: memref<3072x384xf32, #tpu.memory_space<vmem>>, %arg1: memref<1536x3072xf32, #tpu.memory_space<vmem>>, %arg2: memref<1536x384xf32, #tpu.memory_space<vmem>>) attributes {dimension_semantics = [], scalar_prefetch = 0 : i64, scratch_operands = 0 : i64, tpu.core_type = #tpu.core_type<tc>} {
    %get3A = arith.constant 0 : index
    %get3A_0 = arith.constant 0 : index
    %get3A_1 = vector.load %arg1[%get3A, %get3A_0] : memref<1536x3072xf32, #tpu.memory_space<vmem>>, vector<1536x3072xf32>
    %get3A_2 = arith.constant 0 : index
    %get3A_3 = arith.constant 0 : index
    %get3A_4 = vector.load %arg0[%get3A_2, %get3A_3] : memref<3072x384xf32, #tpu.memory_space<vmem>>, vector<3072x384xf32>
    %dot_general3A = arith.constant dense<0.000000e+00> : vector<1536x384xf32>
    %dot_general3A_5 = tpu.matmul %get3A_1, %get3A_4, %dot_general3A {dimension_numbers = #tpu.dot_dimension_numbers<[1], [0], [0], [1], [0, 0, 1, 1], [], []>, transpose_lhs_hint = false} : vector<1536x3072xf32>, vector<3072x384xf32>, vector<1536x384xf32> -> vector<1536x384xf32>
    %swap3A = arith.constant 0 : index
    %swap3A_6 = arith.constant 0 : index
    %swap3A_7 = vector.load %arg2[%swap3A, %swap3A_6] : memref<1536x384xf32, #tpu.memory_space<vmem>>, vector<1536x384xf32>
    tpu.vector_store %arg2[%swap3A, %swap3A_6], %dot_general3A_5 {strides = array<i32>} : memref<1536x384xf32, #tpu.memory_space<vmem>>, vector<1536x384xf32>,
    return
  }
}

module attributes {stable_mosaic.version = 14 : i64} {
  func.func @_s23_body(%arg0: i32, %arg1: memref<16x384xf32, #tpu.memory_space<vmem>>, %arg2: memref<1x128x384xf32, #tpu.memory_space<vmem>>, %arg3: memref<1x16x4096xf32, #tpu.memory_space<vmem>>, %arg4: memref<1x16x1024xf32, #tpu.memory_space<vmem>>, %arg5: memref<1x16x1024xf32, #tpu.memory_space<vmem>>, %arg6: memref<1x256x4096xf32, #tpu.memory_space<vmem>>, %arg7: memref<1x256x1024xf32, #tpu.memory_space<vmem>>, %arg8: memref<1x256x1024xf32, #tpu.memory_space<vmem>>, %arg9: memref<1x1x384xi32, #tpu.memory_space<vmem>>) attributes {dimension_semantics = [#tpu.dimension_semantics<arbitrary>], iteration_bounds = array<i64: 96>, scalar_prefetch = 0 : i64, scratch_operands = 0 : i64, tpu.core_type = #tpu.core_type<tc>, window_params = [{transform_indices = @transform_0, window_bounds = array<i64: 16, 384>}, {transform_indices = @transform_1, window_bounds = array<i64: 1, 128, 384>}, {transform_indices = @transform_2, window_bounds = array<i64: 1, 16, 4096>}, {transform_indices = @transform_3, window_bounds = array<i64: 1, 16, 1024>}, {transform_indices = @transform_4, window_bounds = array<i64: 1, 16, 1024>}, {transform_indices = @transform_5, window_bounds = array<i64: 1, 256, 4096>}, {transform_indices = @transform_6, window_bounds = array<i64: 1, 256, 1024>}, {transform_indices = @transform_7, window_bounds = array<i64: 1, 256, 1024>}, {transform_indices = @transform_8, window_bounds = array<i64: 1, 1, 384>}]} {
    %get3A = arith.constant 0 : index
    %get3A_0 = arith.constant 0 : index
    %get3A_1 = arith.constant 0 : index
    %get3A_2 = vector.load %arg2[%get3A, %get3A_0, %get3A_1] : memref<1x128x384xf32, #tpu.memory_space<vmem>>, vector<1x128x384xf32>
    %get3A_3 = vector.shape_cast %get3A_2 : vector<1x128x384xf32> to vector<128x384xf32>
    %get3A_4 = arith.constant 0 : index
    %get3A_5 = arith.constant 0 : index
    %get3A_6 = vector.load %arg1[%get3A_4, %get3A_5] : memref<16x384xf32, #tpu.memory_space<vmem>>, vector<16x384xf32>
    %reduce_max3A = arith.constant dense<0xFF800000> : vector<384xf32>
    %reduce_max3A_7 = vector.multi_reduction <maximumf>, %get3A_6, %reduce_max3A [0] : vector<16x384xf32> to vector<384xf32>
    %broadcast_in_dim3A = vector.shape_cast %reduce_max3A_7 : vector<384xf32> to vector<1x384xf32>
    %iota3A = tpu.iota {dimensions = array<i32: 0>} : vector<16x384xi32>
    %eq3A = vector.broadcast %broadcast_in_dim3A : vector<1x384xf32> to vector<16x384xf32>
    %eq3A_8 = arith.cmpf oeq, %get3A_6, %eq3A : vector<16x384xf32>
    %jit3A = arith.constant 2147483647 : i32
    %broadcast_in_dim3A_9 = vector.broadcast %jit3A : i32 to vector<16x384xi32>
    %select_n3A = arith.select %eq3A_8, %iota3A, %broadcast_in_dim3A_9 : vector<16x384xi1>, vector<16x384xi32>
    %reduce_min3A = arith.constant dense<2147483647> : vector<384xi32>
    %reduce_min3A_10 = vector.multi_reduction <minsi>, %select_n3A, %reduce_min3A [0] : vector<16x384xi32> to vector<384xi32>
    %get3A_11 = arith.constant 0 : index
    %get3A_12 = arith.constant 0 : index
    %get3A_13 = arith.constant 0 : index
    %get3A_14 = vector.load %arg3[%get3A_11, %get3A_12, %get3A_13] : memref<1x16x4096xf32, #tpu.memory_space<vmem>>, vector<1x16x4096xf32>
    %get3A_15 = vector.shape_cast %get3A_14 : vector<1x16x4096xf32> to vector<16x4096xf32>
    %get3A_16 = arith.constant 0 : index
    %get3A_17 = arith.constant 0 : index
    %get3A_18 = arith.constant 0 : index
    %get3A_19 = vector.load %arg4[%get3A_16, %get3A_17, %get3A_18] : memref<1x16x1024xf32, #tpu.memory_space<vmem>>, vector<1x16x1024xf32>
    %get3A_20 = vector.shape_cast %get3A_19 : vector<1x16x1024xf32> to vector<16x1024xf32>
    %get3A_21 = arith.constant 0 : index
    %get3A_22 = arith.constant 0 : index
    %get3A_23 = arith.constant 0 : index
    %get3A_24 = vector.load %arg5[%get3A_21, %get3A_22, %get3A_23] : memref<1x16x1024xf32, #tpu.memory_space<vmem>>, vector<1x16x1024xf32>
    %get3A_25 = vector.shape_cast %get3A_24 : vector<1x16x1024xf32> to vector<16x1024xf32>
    %iota3A_26 = tpu.iota {dimensions = array<i32: 0>} : vector<16x384xi32>
    %broadcast_in_dim3A_27 = vector.shape_cast %reduce_min3A_10 : vector<384xi32> to vector<1x384xi32>
    %eq3A_28 = vector.broadcast %broadcast_in_dim3A_27 : vector<1x384xi32> to vector<16x384xi32>
    %eq3A_29 = arith.cmpi eq, %iota3A_26, %eq3A_28 : vector<16x384xi32>
    %convert_element_type3A = arith.extui %eq3A_29 : vector<16x384xi1> to vector<16x384xi32>
    %convert_element_type3A_30 = arith.sitofp %convert_element_type3A : vector<16x384xi32> to vector<16x384xf32>
    %dot_general3A = arith.constant dense<0.000000e+00> : vector<4096x384xf32>
    %dot_general3A_31 = tpu.matmul %get3A_15, %convert_element_type3A_30, %dot_general3A {dimension_numbers = #tpu.dot_dimension_numbers<[0], [0], [1], [1], [0, 1, 1, 1], [], []>, transpose_lhs_hint = false} : vector<16x4096xf32>, vector<16x384xf32>, vector<4096x384xf32> -> vector<4096x384xf32>
    %broadcast_in_dim3A_32 = vector.shape_cast %get3A_3 : vector<128x384xf32> to vector<128x1x384xf32>
    %broadcast_in_dim3A_33 = vector.shape_cast %broadcast_in_dim3A_32 : vector<128x1x384xf32> to vector<128x1x384xf32>
    %broadcast_in_dim3A_34 = vector.broadcast %broadcast_in_dim3A_33 : vector<128x1x384xf32> to vector<128x32x384xf32>
    %reshape3A = vector.shape_cast %broadcast_in_dim3A_34 : vector<128x32x384xf32> to vector<4096x384xf32>
    %mul3A = arith.mulf %dot_general3A_31, %reshape3A : vector<4096x384xf32>
    %reshape3A_35 = vector.shape_cast %mul3A : vector<4096x384xf32> to vector<128x32x384xf32>
    %reduce_sum3A = arith.constant dense<0.000000e+00> : vector<32x384xf32>
    %reduce_sum3A_36 = vector.multi_reduction <add>, %reshape3A_35, %reduce_sum3A [0] : vector<128x32x384xf32> to vector<32x384xf32>
    %ge3A = arith.constant 0.000000e+00 : f32
    %ge3A_37 = vector.broadcast %ge3A : f32 to vector<32x384xf32>
    %ge3A_38 = arith.cmpf oge, %reduce_sum3A_36, %ge3A_37 : vector<32x384xf32>
    %mul3A_39 = arith.constant 0.00999999977 : f32
    %mul3A_40 = vector.broadcast %mul3A_39 : f32 to vector<32x384xf32>
    %mul3A_41 = arith.mulf %mul3A_40, %reduce_sum3A_36 : vector<32x384xf32>
    %select_n3A_42 = arith.select %ge3A_38, %reduce_sum3A_36, %mul3A_41 : vector<32x384xi1>, vector<32x384xf32>
    %dot_general3A_43 = arith.constant dense<0.000000e+00> : vector<1024x384xf32>
    %dot_general3A_44 = tpu.matmul %get3A_20, %convert_element_type3A_30, %dot_general3A_43 {dimension_numbers = #tpu.dot_dimension_numbers<[0], [0], [1], [1], [0, 1, 1, 1], [], []>, transpose_lhs_hint = false} : vector<16x1024xf32>, vector<16x384xf32>, vector<1024x384xf32> -> vector<1024x384xf32>
    %broadcast_in_dim3A_45 = vector.shape_cast %select_n3A_42 : vector<32x384xf32> to vector<32x1x384xf32>
    %broadcast_in_dim3A_46 = vector.shape_cast %broadcast_in_dim3A_45 : vector<32x1x384xf32> to vector<32x1x384xf32>
    %broadcast_in_dim3A_47 = vector.broadcast %broadcast_in_dim3A_46 : vector<32x1x384xf32> to vector<32x32x384xf32>
    %reshape3A_48 = vector.shape_cast %broadcast_in_dim3A_47 : vector<32x32x384xf32> to vector<1024x384xf32>
    %mul3A_49 = arith.mulf %dot_general3A_44, %reshape3A_48 : vector<1024x384xf32>
    %reshape3A_50 = vector.shape_cast %mul3A_49 : vector<1024x384xf32> to vector<32x32x384xf32>
    %reduce_sum3A_51 = arith.constant dense<0.000000e+00> : vector<32x384xf32>
    %reduce_sum3A_52 = vector.multi_reduction <add>, %reshape3A_50, %reduce_sum3A_51 [0] : vector<32x32x384xf32> to vector<32x384xf32>
    %ge3A_53 = arith.constant 0.000000e+00 : f32
    %ge3A_54 = vector.broadcast %ge3A_53 : f32 to vector<32x384xf32>
    %ge3A_55 = arith.cmpf oge, %reduce_sum3A_52, %ge3A_54 : vector<32x384xf32>
    %mul3A_56 = arith.constant 0.00999999977 : f32
    %mul3A_57 = vector.broadcast %mul3A_56 : f32 to vector<32x384xf32>
    %mul3A_58 = arith.mulf %mul3A_57, %reduce_sum3A_52 : vector<32x384xf32>
    %select_n3A_59 = arith.select %ge3A_55, %reduce_sum3A_52, %mul3A_58 : vector<32x384xi1>, vector<32x384xf32>
    %dot_general3A_60 = arith.constant dense<0.000000e+00> : vector<1024x384xf32>
    %dot_general3A_61 = tpu.matmul %get3A_25, %convert_element_type3A_30, %dot_general3A_60 {dimension_numbers = #tpu.dot_dimension_numbers<[0], [0], [1], [1], [0, 1, 1, 1], [], []>, transpose_lhs_hint = false} : vector<16x1024xf32>, vector<16x384xf32>, vector<1024x384xf32> -> vector<1024x384xf32>
    %broadcast_in_dim3A_62 = vector.shape_cast %select_n3A_59 : vector<32x384xf32> to vector<32x1x384xf32>
    %broadcast_in_dim3A_63 = vector.shape_cast %broadcast_in_dim3A_62 : vector<32x1x384xf32> to vector<32x1x384xf32>
    %broadcast_in_dim3A_64 = vector.broadcast %broadcast_in_dim3A_63 : vector<32x1x384xf32> to vector<32x32x384xf32>
    %reshape3A_65 = vector.shape_cast %broadcast_in_dim3A_64 : vector<32x32x384xf32> to vector<1024x384xf32>
    %mul3A_66 = arith.mulf %dot_general3A_61, %reshape3A_65 : vector<1024x384xf32>
    %reshape3A_67 = vector.shape_cast %mul3A_66 : vector<1024x384xf32> to vector<32x32x384xf32>
    %reduce_sum3A_68 = arith.constant dense<0.000000e+00> : vector<32x384xf32>
    %reduce_sum3A_69 = vector.multi_reduction <add>, %reshape3A_67, %reduce_sum3A_68 [0] : vector<32x32x384xf32> to vector<32x384xf32>
    %reduce_max3A_70 = arith.constant dense<0xFF800000> : vector<384xf32>
    %reduce_max3A_71 = vector.multi_reduction <maximumf>, %reduce_sum3A_69, %reduce_max3A_70 [0] : vector<32x384xf32> to vector<384xf32>
    %broadcast_in_dim3A_72 = vector.shape_cast %reduce_max3A_71 : vector<384xf32> to vector<1x384xf32>
    %iota3A_73 = tpu.iota {dimensions = array<i32: 0>} : vector<32x384xi32>
    %eq3A_74 = vector.broadcast %broadcast_in_dim3A_72 : vector<1x384xf32> to vector<32x384xf32>
    %eq3A_75 = arith.cmpf oeq, %reduce_sum3A_69, %eq3A_74 : vector<32x384xf32>
    %jit3A_76 = arith.constant 2147483647 : i32
    %broadcast_in_dim3A_77 = vector.broadcast %jit3A_76 : i32 to vector<32x384xi32>
    %select_n3A_78 = arith.select %eq3A_75, %iota3A_73, %broadcast_in_dim3A_77 : vector<32x384xi1>, vector<32x384xi32>
    %reduce_min3A_79 = arith.constant dense<2147483647> : vector<384xi32>
    %reduce_min3A_80 = vector.multi_reduction <minsi>, %select_n3A_78, %reduce_min3A_79 [0] : vector<32x384xi32> to vector<384xi32>
    %mul3A_81 = arith.constant 16 : i32
    %mul3A_82 = vector.broadcast %mul3A_81 : i32 to vector<384xi32>
    %mul3A_83 = arith.muli %reduce_min3A_10, %mul3A_82 : vector<384xi32>
    %sub3A = arith.constant 8 : i32
    %sub3A_84 = vector.broadcast %sub3A : i32 to vector<384xi32>
    %sub3A_85 = arith.subi %reduce_min3A_80, %sub3A_84 : vector<384xi32>
    %add3A = arith.addi %mul3A_83, %sub3A_85 : vector<384xi32>
    %jit3A_86 = arith.constant 0 : i32
    %jit3A_87 = arith.constant 255 : i32
    %max3A = vector.broadcast %jit3A_86 : i32 to vector<384xi32>
    %max3A_88 = arith.maxsi %max3A, %add3A : vector<384xi32>
    %min3A = vector.broadcast %jit3A_87 : i32 to vector<384xi32>
    %min3A_89 = arith.minsi %min3A, %max3A_88 : vector<384xi32>
    %get3A_90 = arith.constant 0 : index
    %get3A_91 = arith.constant 0 : index
    %get3A_92 = arith.constant 0 : index
    %get3A_93 = vector.load %arg6[%get3A_90, %get3A_91, %get3A_92] : memref<1x256x4096xf32, #tpu.memory_space<vmem>>, vector<1x256x4096xf32>
    %get3A_94 = vector.shape_cast %get3A_93 : vector<1x256x4096xf32> to vector<256x4096xf32>
    %get3A_95 = arith.constant 0 : index
    %get3A_96 = arith.constant 0 : index
    %get3A_97 = arith.constant 0 : index
    %get3A_98 = vector.load %arg7[%get3A_95, %get3A_96, %get3A_97] : memref<1x256x1024xf32, #tpu.memory_space<vmem>>, vector<1x256x1024xf32>
    %get3A_99 = vector.shape_cast %get3A_98 : vector<1x256x1024xf32> to vector<256x1024xf32>
    %get3A_100 = arith.constant 0 : index
    %get3A_101 = arith.constant 0 : index
    %get3A_102 = arith.constant 0 : index
    %get3A_103 = vector.load %arg8[%get3A_100, %get3A_101, %get3A_102] : memref<1x256x1024xf32, #tpu.memory_space<vmem>>, vector<1x256x1024xf32>
    %get3A_104 = vector.shape_cast %get3A_103 : vector<1x256x1024xf32> to vector<256x1024xf32>
    %iota3A_105 = tpu.iota {dimensions = array<i32: 0>} : vector<256x384xi32>
    %broadcast_in_dim3A_106 = vector.shape_cast %min3A_89 : vector<384xi32> to vector<1x384xi32>
    %eq3A_107 = vector.broadcast %broadcast_in_dim3A_106 : vector<1x384xi32> to vector<256x384xi32>
    %eq3A_108 = arith.cmpi eq, %iota3A_105, %eq3A_107 : vector<256x384xi32>
    %convert_element_type3A_109 = arith.extui %eq3A_108 : vector<256x384xi1> to vector<256x384xi32>
    %convert_element_type3A_110 = arith.sitofp %convert_element_type3A_109 : vector<256x384xi32> to vector<256x384xf32>
    %dot_general3A_111 = arith.constant dense<0.000000e+00> : vector<4096x384xf32>
    %dot_general3A_112 = tpu.matmul %get3A_94, %convert_element_type3A_110, %dot_general3A_111 {dimension_numbers = #tpu.dot_dimension_numbers<[0], [0], [1], [1], [0, 1, 1, 1], [], []>, transpose_lhs_hint = false} : vector<256x4096xf32>, vector<256x384xf32>, vector<4096x384xf32> -> vector<4096x384xf32>
    %broadcast_in_dim3A_113 = vector.shape_cast %get3A_3 : vector<128x384xf32> to vector<128x1x384xf32>
    %broadcast_in_dim3A_114 = vector.shape_cast %broadcast_in_dim3A_113 : vector<128x1x384xf32> to vector<128x1x384xf32>
    %broadcast_in_dim3A_115 = vector.broadcast %broadcast_in_dim3A_114 : vector<128x1x384xf32> to vector<128x32x384xf32>
    %reshape3A_116 = vector.shape_cast %broadcast_in_dim3A_115 : vector<128x32x384xf32> to vector<4096x384xf32>
    %mul3A_117 = arith.mulf %dot_general3A_112, %reshape3A_116 : vector<4096x384xf32>
    %reshape3A_118 = vector.shape_cast %mul3A_117 : vector<4096x384xf32> to vector<128x32x384xf32>
    %reduce_sum3A_119 = arith.constant dense<0.000000e+00> : vector<32x384xf32>
    %reduce_sum3A_120 = vector.multi_reduction <add>, %reshape3A_118, %reduce_sum3A_119 [0] : vector<128x32x384xf32> to vector<32x384xf32>
    %ge3A_121 = arith.constant 0.000000e+00 : f32
    %ge3A_122 = vector.broadcast %ge3A_121 : f32 to vector<32x384xf32>
    %ge3A_123 = arith.cmpf oge, %reduce_sum3A_120, %ge3A_122 : vector<32x384xf32>
    %mul3A_124 = arith.constant 0.00999999977 : f32
    %mul3A_125 = vector.broadcast %mul3A_124 : f32 to vector<32x384xf32>
    %mul3A_126 = arith.mulf %mul3A_125, %reduce_sum3A_120 : vector<32x384xf32>
    %select_n3A_127 = arith.select %ge3A_123, %reduce_sum3A_120, %mul3A_126 : vector<32x384xi1>, vector<32x384xf32>
    %dot_general3A_128 = arith.constant dense<0.000000e+00> : vector<1024x384xf32>
    %dot_general3A_129 = tpu.matmul %get3A_99, %convert_element_type3A_110, %dot_general3A_128 {dimension_numbers = #tpu.dot_dimension_numbers<[0], [0], [1], [1], [0, 1, 1, 1], [], []>, transpose_lhs_hint = false} : vector<256x1024xf32>, vector<256x384xf32>, vector<1024x384xf32> -> vector<1024x384xf32>
    %broadcast_in_dim3A_130 = vector.shape_cast %select_n3A_127 : vector<32x384xf32> to vector<32x1x384xf32>
    %broadcast_in_dim3A_131 = vector.shape_cast %broadcast_in_dim3A_130 : vector<32x1x384xf32> to vector<32x1x384xf32>
    %broadcast_in_dim3A_132 = vector.broadcast %broadcast_in_dim3A_131 : vector<32x1x384xf32> to vector<32x32x384xf32>
    %reshape3A_133 = vector.shape_cast %broadcast_in_dim3A_132 : vector<32x32x384xf32> to vector<1024x384xf32>
    %mul3A_134 = arith.mulf %dot_general3A_129, %reshape3A_133 : vector<1024x384xf32>
    %reshape3A_135 = vector.shape_cast %mul3A_134 : vector<1024x384xf32> to vector<32x32x384xf32>
    %reduce_sum3A_136 = arith.constant dense<0.000000e+00> : vector<32x384xf32>
    %reduce_sum3A_137 = vector.multi_reduction <add>, %reshape3A_135, %reduce_sum3A_136 [0] : vector<32x32x384xf32> to vector<32x384xf32>
    %ge3A_138 = arith.constant 0.000000e+00 : f32
    %ge3A_139 = vector.broadcast %ge3A_138 : f32 to vector<32x384xf32>
    %ge3A_140 = arith.cmpf oge, %reduce_sum3A_137, %ge3A_139 : vector<32x384xf32>
    %mul3A_141 = arith.constant 0.00999999977 : f32
    %mul3A_142 = vector.broadcast %mul3A_141 : f32 to vector<32x384xf32>
    %mul3A_143 = arith.mulf %mul3A_142, %reduce_sum3A_137 : vector<32x384xf32>
    %select_n3A_144 = arith.select %ge3A_140, %reduce_sum3A_137, %mul3A_143 : vector<32x384xi1>, vector<32x384xf32>
    %dot_general3A_145 = arith.constant dense<0.000000e+00> : vector<1024x384xf32>
    %dot_general3A_146 = tpu.matmul %get3A_104, %convert_element_type3A_110, %dot_general3A_145 {dimension_numbers = #tpu.dot_dimension_numbers<[0], [0], [1], [1], [0, 1, 1, 1], [], []>, transpose_lhs_hint = false} : vector<256x1024xf32>, vector<256x384xf32>, vector<1024x384xf32> -> vector<1024x384xf32>
    %broadcast_in_dim3A_147 = vector.shape_cast %select_n3A_144 : vector<32x384xf32> to vector<32x1x384xf32>
    %broadcast_in_dim3A_148 = vector.shape_cast %broadcast_in_dim3A_147 : vector<32x1x384xf32> to vector<32x1x384xf32>
    %broadcast_in_dim3A_149 = vector.broadcast %broadcast_in_dim3A_148 : vector<32x1x384xf32> to vector<32x32x384xf32>
    %reshape3A_150 = vector.shape_cast %broadcast_in_dim3A_149 : vector<32x32x384xf32> to vector<1024x384xf32>
    %mul3A_151 = arith.mulf %dot_general3A_146, %reshape3A_150 : vector<1024x384xf32>
    %reshape3A_152 = vector.shape_cast %mul3A_151 : vector<1024x384xf32> to vector<32x32x384xf32>
    %reduce_sum3A_153 = arith.constant dense<0.000000e+00> : vector<32x384xf32>
    %reduce_sum3A_154 = vector.multi_reduction <add>, %reshape3A_152, %reduce_sum3A_153 [0] : vector<32x32x384xf32> to vector<32x384xf32>
    %reduce_max3A_155 = arith.constant dense<0xFF800000> : vector<384xf32>
    %reduce_max3A_156 = vector.multi_reduction <maximumf>, %reduce_sum3A_154, %reduce_max3A_155 [0] : vector<32x384xf32> to vector<384xf32>
    %broadcast_in_dim3A_157 = vector.shape_cast %reduce_max3A_156 : vector<384xf32> to vector<1x384xf32>
    %iota3A_158 = tpu.iota {dimensions = array<i32: 0>} : vector<32x384xi32>
    %eq3A_159 = vector.broadcast %broadcast_in_dim3A_157 : vector<1x384xf32> to vector<32x384xf32>
    %eq3A_160 = arith.cmpf oeq, %reduce_sum3A_154, %eq3A_159 : vector<32x384xf32>
    %jit3A_161 = arith.constant 2147483647 : i32
    %broadcast_in_dim3A_162 = vector.broadcast %jit3A_161 : i32 to vector<32x384xi32>
    %select_n3A_163 = arith.select %eq3A_160, %iota3A_158, %broadcast_in_dim3A_162 : vector<32x384xi1>, vector<32x384xi32>
    %reduce_min3A_164 = arith.constant dense<2147483647> : vector<384xi32>
    %reduce_min3A_165 = vector.multi_reduction <minsi>, %select_n3A_163, %reduce_min3A_164 [0] : vector<32x384xi32> to vector<384xi32>
    %mul3A_166 = arith.constant 16 : i32
    %mul3A_167 = vector.broadcast %mul3A_166 : i32 to vector<384xi32>
    %mul3A_168 = arith.muli %add3A, %mul3A_167 : vector<384xi32>
    %sub3A_169 = arith.constant 8 : i32
    %sub3A_170 = vector.broadcast %sub3A_169 : i32 to vector<384xi32>
    %sub3A_171 = arith.subi %reduce_min3A_165, %sub3A_170 : vector<384xi32>
    %add3A_172 = arith.addi %mul3A_168, %sub3A_171 : vector<384xi32>
    %jit3A_173 = arith.constant 0 : i32
    %jit3A_174 = arith.constant 4095 : i32
    %max3A_175 = vector.broadcast %jit3A_173 : i32 to vector<384xi32>
    %max3A_176 = arith.maxsi %max3A_175, %add3A_172 : vector<384xi32>
    %min3A_177 = vector.broadcast %jit3A_174 : i32 to vector<384xi32>
    %min3A_178 = arith.minsi %min3A_177, %max3A_176 : vector<384xi32>
    %swap3A = arith.constant 0 : index
    %swap3A_179 = arith.constant 0 : index
    %swap3A_180 = arith.constant 0 : index
    %swap3A_181 = vector.load %arg9[%swap3A, %swap3A_179, %swap3A_180] : memref<1x1x384xi32, #tpu.memory_space<vmem>>, vector<1x1x384xi32>
    %swap3A_182 = vector.shape_cast %swap3A_181 : vector<1x1x384xi32> to vector<384xi32>
    %swap3A_183 = vector.shape_cast %min3A_178 : vector<384xi32> to vector<1x1x384xi32>
    tpu.vector_store %arg9[%swap3A, %swap3A_179, %swap3A_180], %swap3A_183 {strides = array<i32>} : memref<1x1x384xi32, #tpu.memory_space<vmem>>, vector<1x1x384xi32>,
    return
  }
  func.func @transform_0(%arg0: i32) -> (i32, i32) {
    %c0_i32 = arith.constant 0 : i32
    %c0_i32_0 = arith.constant 0 : i32
    return %arg0, %c0_i32 : i32, i32
  }
  func.func @transform_1(%arg0: i32) -> (i32, i32, i32) {
    %c0_i32 = arith.constant 0 : i32
    %c0_i32_0 = arith.constant 0 : i32
    %c0_i32_1 = arith.constant 0 : i32
    return %arg0, %c0_i32, %c0_i32_0 : i32, i32, i32
  }
  func.func @transform_2(%arg0: i32) -> (i32, i32, i32) {
    %c0_i32 = arith.constant 0 : i32
    %c0_i32_0 = arith.constant 0 : i32
    %c0_i32_1 = arith.constant 0 : i32
    return %arg0, %c0_i32, %c0_i32_0 : i32, i32, i32
  }
  func.func @transform_3(%arg0: i32) -> (i32, i32, i32) {
    %c0_i32 = arith.constant 0 : i32
    %c0_i32_0 = arith.constant 0 : i32
    %c0_i32_1 = arith.constant 0 : i32
    return %arg0, %c0_i32, %c0_i32_0 : i32, i32, i32
  }
  func.func @transform_4(%arg0: i32) -> (i32, i32, i32) {
    %c0_i32 = arith.constant 0 : i32
    %c0_i32_0 = arith.constant 0 : i32
    %c0_i32_1 = arith.constant 0 : i32
    return %arg0, %c0_i32, %c0_i32_0 : i32, i32, i32
  }
  func.func @transform_5(%arg0: i32) -> (i32, i32, i32) {
    %c0_i32 = arith.constant 0 : i32
    %c0_i32_0 = arith.constant 0 : i32
    %c0_i32_1 = arith.constant 0 : i32
    return %arg0, %c0_i32, %c0_i32_0 : i32, i32, i32
  }
  func.func @transform_6(%arg0: i32) -> (i32, i32, i32) {
    %c0_i32 = arith.constant 0 : i32
    %c0_i32_0 = arith.constant 0 : i32
    %c0_i32_1 = arith.constant 0 : i32
    return %arg0, %c0_i32, %c0_i32_0 : i32, i32, i32
  }
  func.func @transform_7(%arg0: i32) -> (i32, i32, i32) {
    %c0_i32 = arith.constant 0 : i32
    %c0_i32_0 = arith.constant 0 : i32
    %c0_i32_1 = arith.constant 0 : i32
    return %arg0, %c0_i32, %c0_i32_0 : i32, i32, i32
  }
  func.func @transform_8(%arg0: i32) -> (i32, i32, i32) {
    %c0_i32 = arith.constant 0 : i32
    %c0_i32_0 = arith.constant 0 : i32
    %c0_i32_1 = arith.constant 0 : i32
    return %arg0, %c0_i32, %c0_i32_0 : i32, i32, i32
  }
}

</mosaic_0001>

<sc_bundles>
// kernel: sparse-core-data-format-call.1.cloned.1.call-start
scs
called_computation.1_lowered:
.L_overlay_start_0:
0x0: {  	s2 =	sld [smem:$0x3FD9]  }
0x1: {  	s3 =	sld [smem:$0x3FFE];
	_ =	sdelay $0x1  }
0x2: {  	s1 =	srdreg.scid  }
0x3: {  	s0 =	sand.u32 $0x1, s1  }
0x4: {  	s18 =	sshll.u32 s0, $0xA;
	s2 =	sadd.s32 s3, s2  }
0x5: {  	s2 =	sadd.s32 s2, s18  }
0x6: {  	[smem:$0x3FBE] =	sst s2  }
0x7: {  	_ = 	snop  }
0x8: {  	s2 =	sld [smem:$0x3FC1];
	(tm) =	ssettm $0x1  }
0x9: {  	s19 =	sld [smem:$0x3FFB];
	_ =	sdelay $0x3  }
0xa: {  	_ =	strace s19  }
0xb: {  	s3 =	sld [smem:$0x3FFC];
	_ =	sdelay $0x3  }
0xc: {  	_ =	strace s3  }
0xd: {  	s3 =	sld [smem:$0x3FFD];
	_ =	sdelay $0x3  }
0xe: {  	_ =	strace s3  }
0xf: {  	_ =	strace $0x8FFFFFFF  }
0x10: {  	s20 =	sld [smem:$0x3FDB];
	_ =	sdelay $0x1  }
0x11: {  	s4 =	simm.s32 $_scs_section_size  }
0x12: {  	s5 =	simm.s32 $_size__tile_overlayer_lowered;
	s6 =	simm.s32 $_tile_overlayer_lowered  }
0x13: {  	s23 =	simm.s32 $0x1BFF;
	s22 =	sshll.u32 s6, $0x1;
	s3 =	sadd.s32 s4, s20  }
0x14: {  	s7 =	simm.s32 $0x0;
	s21 =	sshll.u32 s5, $0x1;
	s5 =	sadd.s32 s22, s3  }
0x15: {  	[timem:s7], [sflag:s23] =	dma.local [hbm:s5], s21  }
0x16: {  	_ =	swait.ge [sflag:s23], s21  }
0x17: {  	s4 =	ssub.s32 $0x0, s21;
	[sflag:s23] =	ssyncset.done $0x0  }
0x18: {  	[sflag:s23] =	ssyncadd.s32 s4;
	_ =	sdelay $0x1  }
0x19: {  	s24 =	simm.s32 $0x1B8B  }
0x1a: {  	_ =	swait.ge [sflag:s24], $0x1  }
0x1b: {  	[sflag:s24] =	ssyncset.done $0x0  }
0x1c: {  	s26 =	simm.s32 $0x1B8E;
	s25 =	sld [smem:$0x3FFE];
	[sflag:s24] =	ssyncadd.s32 $0xFFFFFFFF  }
0x1d: {  	s27 =	simm.s32 $execute0_lowered;
	[smem:$0x3FD2] =	sst s26  }
0x1e: {  	s5 =	sshll.u32 s27, $0x1;
	_ =	strace $0x80000046;
	[dreg:$0x1] =	wrdreg $0xFFFFFFFF  }
0x1f: {  	s28 =	simm.s32 $_size_execute0_lowered;
	s3 =	sadd.s32 s3, s5;
	[dreg:$0x0] =	wrdreg $0x0  }
0x20: {  	s5 =	sshll.u32 s28, $0x1;
	[dreg:$0x2] =	wrdreg s3  }
0x21: {  	[dreg:$0x3] =	wrdreg s5  }
0x22: {  	[dreg:$0x4] =	wrdreg $0xC0  }
0x23: {  	_ =	task [dreg:s7], $0x5FFFF  }
0x24: {  	[dreg:$0x1] =	wrdreg $0xFFFFFFFF  }
0x25: {  	[dreg:$0x0] =	wrdreg $0x60  }
0x26: {  	[dreg:$0x2] =	wrdreg s2  }
0x27: {  	[dreg:$0x3] =	wrdreg s25  }
0x28: {  	[dreg:$0x4] =	wrdreg $0xA  }
0x29: {  	_ =	task.clear_ibuf [dreg:s7], $0x5FFFF;
	_ =	strace $0x90000046  }
0x2a: {  	s29 =	simm.s32 $0xA;
	_ =	strace $0x80000048  }
0x2b: {  	_ =	swait.ge [sflag:s29], $0x1  }
0x2c: {  	[sflag:s29] =	ssyncadd.s32 $0xFFFFFFFF  }
0x2d: {  	_ =	strace $0x90000048  }
0x2e: {  	_ =	sfence  }
0x2f: {  	s30 =	sld [smem:$0x0];
	_ =	sdelay $0x2  }
0x30: {  	s31 =	sshll.u32 s1, $0xD;
	s1 =	sshrl.u32 s1, $0x2  }
0x31: {  	s3 =	sand.u32 $0x4000, s31;
	s1 =	sadd.s32 s1, s30  }
0x32: {  	s0 =	sor.u32 s3, s0;
	s1 =	sshll.u32 s1, $0x11  }
0x33: {  	s0 =	sor.u32 s1, s0  }
0x34: {  	s0 =	sadd.s32 $0x8F2B, s0  }
0x35: {  	[sflag:s0] =	ssyncadd.remote.s32 $0x1  }
0x36: {  	_ =	sfence.sel $0xFFFF  }
0x37: {  	[dreg:$0x0] =	wrdreg $0xFFFFFFFF;
	(pc) =	sbr.abs _section_cstart, $3  }
0x38: {  	[dreg:$0x1] =	wrdreg $0xFFFFFFFF  }
0x39: {  	_ =	task.clear_ibuf [dreg:s7], $0x2FFFF;
	_ =	strace $0x9FFFFFFF  }
0x3a: {  	(tm) =	ssettm $0x7FFFFFFF  }
0x3b: {  	_ =	shalt  }
tec
execute0_lowered:
.L_overlay_start_1:
0x0: {  	(tag) =	ssettag $0x1  }
0x1: {  	s2 =	rddreg [dreg:$0x0]  }
0x2: {  	s1 =	rddreg [dreg:$0x1]  }
0x3: {  	s0 =	rddreg [dreg:$0x2]  }
0x4: {  	_ =	strace $0x80000047;
	s4 =	srdreg.scid;
	s6 =	simm.s32 $0x2  }
0x5: {  	s11 =	simm.s32 $0x0;
	p0 =	por $0x0, $0x0;
	s7 =	simm.s32 $0x6000  }
.Ltmp0:
0x6: {  	s12 =	simm.s32 $0x0;
	s9 =	simm.s32 $0x0;
	(pc) =	sbr.rel .LBB1_1-.Ltmp0, $4  }
0x7: {  	s8 =	simm.s32 $0x0;
	s3 =	sadd.s32 $0x2200, s1;
	s5 =	sshll.u32 s4, $0x4  }
0x8: {  	s1 =	stileid.u32;
	s4 =	simm.s32 $0x1;
	s5 =	sand.u32 $0x10, s5  }
0x9: {  	s18 =	simm.s32 $0x0;
	[sflag:s4] =	ssyncpa.u1 $0x0;
	s5 =	sor.u32 s1, s5  }
0xa: {  	[sflag:s6] =	ssyncpa.u1 $0x0;
	s6 =	simm.s32 $0x800;
	s10 =	smov.u32 s5  }
.LBB1_7:
0xb: {  	s13 =	sadd.s32 $0x8, s9  }
0xc: {  	s11 =	sadd.s32 $0x20, s10;
	s15 =	smov.u32 s10;
	p2 =	sgt.s32 s13, $0x5F  }
0xd: {  	p1 =	slt.u32 s8, $0x2;
	s15 =	smov.u32 @p2 s11  }
0xe: {  	s8 =	sadd.s32 $0x1, s8;
	s13 =	simm.s32 @p2 $0x0;
	p2 =	sgt.s32 s15, $0x7F  }
0xf: {  	s15 =	smov.u32 @p2 s5;
	p2 =	sne.s32 s8, $0x32  }
.Ltmp1:
0x10: {  	_ = 	snop;
	(pc) =	sbr.rel @!p2 .LBB1_8-.Ltmp1, $4  }
0x11: {  	s14 =	simm.s32 @!p1 $0x2  }
0x12: {  	s12 =	smov.u32 s10;
	_ =	swait.ge @!p1 [sflag:s14], $0x4000  }
0x13: {  	p0 =	por !p0, !p0;
	s11 =	smov.u32 s9;
	[sflag:s14] =	ssyncset.done @!p1 $0x0  }
0x14: {  	s9 =	smov.u32 s13;
	[sflag:s14] =	ssyncadd.s32 @!p1 $0xFFFFC000;
	s10 =	smov.u32 s15  }
.LBB1_1:
0x15: {  	p1 =	sgt.u32 s8, $0x2F  }
0x16: {  	s13 =	smul.u32 @!p1 $0x6000, s10  }
0x17: {  	s14 =	sxor.u32 @!p1 $0xFFFFFFFF, s8  }
0x18: {  	s15 =	sshll.u32 @!p1 s9, $0x8;
	s14 =	sshll.u32 @!p1 s14, $0xE;
	s13 =	sadd.s32 @!p1 s2, s13  }
0x19: {  	s14 =	sand.u32 @!p1 $0x4000, s14;
	s13 =	sadd.s32 @!p1 s15, s13;
	s15 =	simm.s32 @!p1 $0x0  }
0x1a: {  	[tilespmem:s14], [sflag:$0x1] =	stream.linear.gather @!p1 [hbm4b:s13+s15], $0x4000, $0x38;
	[tilespmem:$0x10000] =	vst v63  }
0x1b: {  	p1 =	seq.s32 s8, $0x0  }
0x1c: {  	p2 =	seq.s32 @!p1 s8, $0x31  }
0x1d: {  	p1 =	por p1, p2  }
.Ltmp2:
0x1e: {  	_ = 	snop;
	(pc) =	sbr.rel @p1 .LBB1_7-.Ltmp2, $1  }
0x1f: {  	_ =	sdelay $0x3  }
0x20: {  	s13 =	simm.s32 $0x1  }
0x21: {  	_ =	swait.ge [sflag:s4], $0x4000;
	s31 =	sshll.u32 s8, $0xE;
	p1 =	por $0x0, $0x0  }
0x22: {  	s19 =	simm.s32 $0x0;
	s20 =	simm.s32 $0x0;
	s13 =	simm.s32 @!p0 $0x0  }
0x23: {  	[sflag:s4] =	ssyncset.done $0x0;
	s16 =	sand.u32 $0x4000, s31;
	s13 =	sshll.u32 s13, $0x10  }
0x24: {  	[sflag:s4] =	ssyncadd.s32 $0xFFFFC000;
	s17 =	sshrl.u32 s13, $0x2;
	s13 =	sor.u32 $0x8000, s16  }
0x25: {  	s14 =	sor.u32 $0x40, s17;
	s15 =	sor.u32 $0x8410, s17;
	s17 =	sadd.s32 $0x8400, s17  }
.LBB1_3:
0x26: {  	v1 =	vld [tilespmem:s14+$0xFFFFFFD0]  }
0x27: {  	v2 =	vld [tilespmem:s14+$0x430]  }
0x28: {  	s21 =	sshll.u32 s20, $0xB;
	v4 =	vld [tilespmem:s14+$0xFFFFFFE0]  }
0x29: {  	v7 =	vld [tilespmem:s14+$0xFFFFFFF0];
	v0 =	vmov s21  }
0x2a: {  	v8 =	vld [tilespmem:s14+$0x0]  }
0x2b: {  	s30 =	sand.u32 $0x300, s18;
	v9 =	vld [tilespmem:s14+$0x10]  }
0x2c: {  	s22 =	sand.u32 $0x80, s18;
	v10 =	vld [tilespmem:s14+$0x20];
	s21 =	sadd.s32 s30, s16  }
0x2d: {  	v11 =	vld [tilespmem:s14+$0x30];
	s21 =	sadd.s32 s22, s21;
	s22 =	simm.s32 $0x1;
	[tilespmem:s15+$0x60] =	vst v2  }
0x2e: {  	s31 =	sshll.u32 s19, $0x2;
	s22 =	simm.s32 @!p1 $0x0;
	[tilespmem:s15+$0xFFFFFC00] =	vst v1;
	v3 =	vld.idx.msk [tilespmem:v0+s21+$0x400 ss:$0x1], $0xffff  }
0x2f: {  	v6 =	vld [tilespmem:s14+$0x3D0];
	s22 =	sshll.u32 s22, $0x9;
	[tilespmem:s15+$0xFFFFFC10] =	vst v4;
	s21 =	sand.u32 $0xFFFFFC00, s31  }
0x30: {  	v5 =	vld [tilespmem:s14+$0x3E0];
	[tilespmem:s15+$0xFFFFFC20] =	vst v7;
	s21 =	sor.u32 s22, s21  }
0x31: {  	[tilespmem:s15+$0xFFFFFC30] =	vst v8;
	v4 =	vld [tilespmem:s14+$0x400];
	s21 =	sshrl.u32 s21, $0x2  }
0x32: {  	[tilespmem:s15+$0xFFFFFC40] =	vst v9;
	v1 =	vld [tilespmem:s14+$0x410];
	s21 =	sadd.s32 s21, s17  }
0x33: {  	[tilespmem:s21+$0x0] =	vst v3;
	v3 =	vld [tilespmem:s14+$0x3F0]  }
0x34: {  	s25 =	simm.s32 $0x80;
	s24 =	simm.s32 $0x100;
	[tilespmem:s15+$0xFFFFFC50] =	vst v10;
	v2 =	vld [tilespmem:s14+$0x420]  }
0x35: {  	s23 =	smov.u32 s15;
	s26 =	sand.u32 $0x300, s25;
	v7 =	vld [tilespmem:s14+$0xFFFFFFC0];
	[tilespmem:s15+$0xFFFFFC60] =	vst v11;
	s22 =	sadd.s32 $0x80, s14  }
.LBB1_4:
0x36: {  	p2 =	sne.s32 s24, $0x380;
	v8 =	vld [tilespmem:s22+$0xFFFFFFD0];
	s25 =	sand.u32 $0x80, s25;
	s26 =	sadd.s32 s26, s16;
	[tilespmem:s23+$0x0] =	vst v6  }
0x37: {  	s26 =	sadd.s32 s25, s26;
	v6 =	vld [tilespmem:s22+$0x430];
	[tilespmem:s23+$0x10] =	vst v5;
	s25 =	smov.u32 s24  }
0x38: {  	v5 =	vld.idx.msk [tilespmem:v0+s26+$0x400 ss:$0x1], $0xffff;
	[tilespmem:s23+$0x20] =	vst v3  }
0x39: {  	v3 =	vld [tilespmem:s22+$0xFFFFFFE0];
	[tilespmem:s23+$0x30] =	vst v4  }
0x3a: {  	v4 =	vld [tilespmem:s22+$0xFFFFFFF0];
	[tilespmem:s23+$0xFFFFFBF0] =	vst v7  }
0x3b: {  	v7 =	vld [tilespmem:s22+$0x0];
	[tilespmem:s23+$0x40] =	vst v1  }
0x3c: {  	v1 =	vld [tilespmem:s22+$0x10];
	[tilespmem:s23+$0x50] =	vst v2;
	s23 =	sadd.s32 $0x800, s23  }
0x3d: {  	s21 =	sadd.s32 $0x800, s21;
	v2 =	vld [tilespmem:s22+$0x20];
	[tilespmem:s23+$0x60] =	vst v6  }
0x3e: {  	v9 =	vld [tilespmem:s22+$0x30];
	[tilespmem:s21+$0x0] =	vst v5  }
0x3f: {  	[tilespmem:s23+$0xFFFFFC00] =	vst v8;
	v6 =	vld [tilespmem:s22+$0x3D0]  }
0x40: {  	[tilespmem:s23+$0xFFFFFC10] =	vst v3;
	v5 =	vld [tilespmem:s22+$0x3E0]  }
.Ltmp3:
0x41: {  	[tilespmem:s23+$0xFFFFFC20] =	vst v4;
	v3 =	vld [tilespmem:s22+$0x3F0];
	(pc) =	sbr.rel @p2 .LBB1_4-.Ltmp3, $4  }
0x42: {  	[tilespmem:s23+$0xFFFFFC30] =	vst v7;
	v4 =	vld [tilespmem:s22+$0x400]  }
0x43: {  	[tilespmem:s23+$0xFFFFFC40] =	vst v1;
	v1 =	vld [tilespmem:s22+$0x410]  }
0x44: {  	[tilespmem:s23+$0xFFFFFC50] =	vst v2;
	v2 =	vld [tilespmem:s22+$0x420]  }
0x45: {  	s24 =	sadd.s32 $0x80, s24;
	s26 =	sand.u32 $0x300, s25;
	v7 =	vld [tilespmem:s22+$0xFFFFFFC0];
	[tilespmem:s23+$0xFFFFFC60] =	vst v9;
	s22 =	sadd.s32 $0x80, s22  }
0x46: {  	[tilespmem:s23+$0x0] =	vst v6  }
0x47: {  	[tilespmem:s23+$0x10] =	vst v5  }
0x48: {  	v49 =	vld [tilespmem:s22+$0x430];
	[tilespmem:s23+$0x20] =	vst v3  }
0x49: {  	v50 =	vld [tilespmem:s22+$0xFFFFFFD0];
	[tilespmem:s23+$0x30] =	vst v4  }
0x4a: {  	v51 =	vld [tilespmem:s22+$0xFFFFFFE0];
	[tilespmem:s23+$0x40] =	vst v1  }
0x4b: {  	v52 =	vld [tilespmem:s22+$0xFFFFFFF0];
	[tilespmem:s23+$0x50] =	vst v2  }
0x4c: {  	s31 =	sadd.s32 $0x800, s23;
	v53 =	vld [tilespmem:s22+$0x0];
	[tilespmem:s23+$0xFFFFFBF0] =	vst v7  }
0x4d: {  	v54 =	vld [tilespmem:s22+$0x10];
	[tilespmem:s31+$0x60] =	vst v49  }
0x4e: {  	v55 =	vld [tilespmem:s22+$0x20];
	[tilespmem:s31+$0xFFFFFC00] =	vst v50  }
0x4f: {  	v56 =	vld [tilespmem:s22+$0x30];
	[tilespmem:s31+$0xFFFFFC10] =	vst v51  }
0x50: {  	v57 =	vld [tilespmem:s22+$0x3D0];
	[tilespmem:s31+$0xFFFFFC20] =	vst v52  }
0x51: {  	v58 =	vld [tilespmem:s22+$0x3E0];
	[tilespmem:s31+$0xFFFFFC30] =	vst v53  }
0x52: {  	v59 =	vld [tilespmem:s22+$0x3F0];
	[tilespmem:s31+$0xFFFFFC40] =	vst v54  }
0x53: {  	v60 =	vld [tilespmem:s22+$0x400];
	[tilespmem:s31+$0xFFFFFC50] =	vst v55  }
0x54: {  	v61 =	vld [tilespmem:s22+$0xFFFFFFC0];
	[tilespmem:s31+$0xFFFFFC60] =	vst v56  }
0x55: {  	s24 =	sand.u32 $0x80, s25;
	s30 =	sadd.s32 s26, s16;
	v62 =	vld [tilespmem:s22+$0x410];
	[tilespmem:s31+$0x0] =	vst v57  }
0x56: {  	v63 =	vld [tilespmem:s22+$0x420];
	s20 =	sadd.s32 $0x1, s20;
	s24 =	sadd.s32 s24, s30;
	[tilespmem:s31+$0x10] =	vst v58  }
0x57: {  	p2 =	sne.s32 s20, $0x8;
	v0 =	vld.idx.msk [tilespmem:v0+s24+$0x400 ss:$0x1], $0xffff;
	[tilespmem:s31+$0x20] =	vst v59  }
.Ltmp4:
0x58: {  	[tilespmem:s31+$0x30] =	vst v60;
	(pc) =	sbr.rel @p2 .LBB1_3-.Ltmp4, $4  }
0x59: {  	[tilespmem:s31+$0xFFFFFBF0] =	vst v61  }
0x5a: {  	[tilespmem:s31+$0x40] =	vst v62  }
0x5b: {  	s21 =	sadd.s32 $0x800, s21;
	s14 =	sadd.s32 $0x800, s14;
	[tilespmem:s31+$0x50] =	vst v63  }
0x5c: {  	s19 =	sadd.s32 $0x80, s19;
	p1 =	por !p1, !p1;
	s15 =	sadd.s32 $0x80, s15;
	[tilespmem:s21+$0x0] =	vst v0  }
0x5d: {  	s14 =	sshll.u32 s11, $0x8;
	s15 =	sshll.u32 s11, $0x7  }
0x5e: {  	s14 =	sand.u32 $0xFFFFF800, s14;
	s15 =	sand.u32 $0x300, s15  }
0x5f: {  	s14 =	sor.u32 s15, s14  }
0x60: {  	s14 =	sshrl.u32 s14, $0x8  }
0x61: {  	s30 =	smulhi.u32 $0x2AAAAAB, s14  }
0x62: {  	s12 =	smul.u32 $0x6000, s12  }
0x63: {  	s15 =	smul.u32 $0x60, s30  }
.Ltmp5:
0x64: {  	s31 =	sshll.u32 s11, $0x4;
	(pc) =	sbr.rel .LBB1_7-.Ltmp5, $4  }
0x65: {  	s11 =	sand.u32 $0x10, s31;
	s12 =	sadd.s32 s3, s12;
	s14 =	ssub.s32 s14, s15  }
0x66: {  	s11 =	sadd.s32 s11, s12;
	s14 =	sshll.u32 s14, $0x5  }
0x67: {  	s11 =	sadd.s32 s14, s11  }
0x68: {  	[hbm4b:s11+s6] =	stream.strided.scatter [tilespmem:s13], [sflag:$0x2], $0x4000, s7, s6, $0x38;
	[tilespmem:$0x10000] =	vst v63  }
.LBB1_8:
0x69: {  	_ =	sfence.sel $0x180000  }
0x6a: {  	s2 =	simm.s32 $0x1;
	[bflag:$0x0] =	sbarrier.arrive $0xFFFF  }
0x6b: {  	s31 =	simm.s32 $0x2;
	[sflag:s2] =	ssyncpa.u1 $0x1  }
0x6c: {  	[sflag:s31] =	ssyncpa.u1 $0x1  }
0x6d: {  	p0 =	sne.s32 s1, $0x0;
	_ =	strace $0x90000047  }
0x6e: {  	s0 =	sadd.s32 @!p0 $0x100000, s0;
	[bflag:$0x2] =	sbarrier.arrive $0xFFFF  }
0x6f: {  	[sflag:s0] =	ssyncadd.tile.s32 @!p0 $0x1;
	_ =	shalt  }
.Lfunc_end1:
_tile_overlayer_lowered:
.L_overlay_start_2:
0x70: {  	(tag) =	ssettag $0x2  }
0x71: {  	s0 =	rddreg [dreg:$0x0];
	s2 =	stileid.u32  }
0x72: {  	s1 =	rddreg [dreg:$0x1];
	p0 =	sne.s32 s2, $0x0  }
0x73: {  	s3 =	rddreg [dreg:$0x2];
	[bflag:$0x3] =	sbarrier.arrive $0xFFFF;
	s2 =	simm.s32 @!p0 $0x1C01  }
0x74: {  	[timem:s3], [sflag:s2] =	dma.local @!p0 [hbm:s0], s1  }
0x75: {  	s0 =	simm.s32 @!p0 $0x1  }
0x76: {  	_ =	swait.ge @!p0 [sflag:s0], s1  }
0x77: {  	s1 =	ssub.s32 @!p0 $0x0, s1;
	[sflag:s0] =	ssyncset.done @!p0 $0x0  }
0x78: {  	[sflag:s0] =	ssyncadd.s32 @!p0 s1  }
0x79: {  	[bflag:$0x3] =	sbarrier.arrive $0xFFFF  }
0x7a: {  	_ =	shalt  }

// kernel: sparse-core-data-format-call.2.cloned.1.call-start
scs
called_computation.2_lowered:
.L_overlay_start_0:
0x0: {  	s2 =	sld [smem:$0x3FD9]  }
0x1: {  	s3 =	sld [smem:$0x3FFE];
	_ =	sdelay $0x1  }
0x2: {  	s1 =	srdreg.scid  }
0x3: {  	s0 =	sand.u32 $0x1, s1  }
0x4: {  	s18 =	sshll.u32 s0, $0xA;
	s2 =	sadd.s32 s3, s2  }
0x5: {  	s2 =	sadd.s32 s2, s18  }
0x6: {  	[smem:$0x3FBE] =	sst s2  }
0x7: {  	_ = 	snop  }
0x8: {  	(tm) =	ssettm $0x1  }
0x9: {  	s19 =	sld [smem:$0x3FFB];
	_ =	sdelay $0x3  }
0xa: {  	_ =	strace s19  }
0xb: {  	s2 =	sld [smem:$0x3FFC];
	_ =	sdelay $0x3  }
0xc: {  	_ =	strace s2  }
0xd: {  	s2 =	sld [smem:$0x3FFD];
	_ =	sdelay $0x3  }
0xe: {  	_ =	strace s2  }
0xf: {  	_ =	strace $0x8FFFFFFF  }
0x10: {  	s20 =	sld [smem:$0x3FDB];
	_ =	sdelay $0x1  }
0x11: {  	s21 =	simm.s32 $_scs_section_size  }
0x12: {  	s4 =	simm.s32 $_size__tile_overlayer_lowered;
	s5 =	simm.s32 $_tile_overlayer_lowered  }
0x13: {  	s6 =	simm.s32 $0x1BFF;
	s22 =	sshll.u32 s5, $0x1;
	s3 =	sadd.s32 s21, s20  }
0x14: {  	s23 =	simm.s32 $0x0;
	s4 =	sshll.u32 s4, $0x1;
	s5 =	sadd.s32 s22, s3  }
0x15: {  	[timem:s23], [sflag:s6] =	dma.local [hbm:s5], s4  }
0x16: {  	_ =	swait.ge [sflag:s6], s4  }
0x17: {  	s4 =	ssub.s32 $0x0, s4;
	[sflag:s6] =	ssyncset.done $0x0  }
0x18: {  	[sflag:s6] =	ssyncadd.s32 s4;
	_ =	sdelay $0x1  }
0x19: {  	s24 =	simm.s32 $0x1B8B  }
0x1a: {  	_ =	swait.ge [sflag:s24], $0x1  }
0x1b: {  	[sflag:s24] =	ssyncset.done $0x0  }
0x1c: {  	[sflag:s24] =	ssyncadd.s32 $0xFFFFFFFF  }
0x1d: {  	s4 =	sld [smem:$0x0]  }
0x1e: {  	s5 =	sand.u32 $0xFFFFFFFE, s1  }
0x1f: {  	p0 =	sne.s32 s1, s5  }
0x20: {  	s5 =	sshll.u32 @p0 s5, $0xE  }
0x21: {  	s5 =	sadd.s32 @p0 $0x11B8D, s5;
	s6 =	sshll.u32 @p0 s4, $0x11  }
0x22: {  	s5 =	sor.u32 @p0 s6, s5  }
0x23: {  	[sflag:s5] =	ssyncadd.remote.s32 @p0 $0x1;
	_ =	sdelay $0x1  }
0x24: {  	s5 =	simm.s32 @p0 $0x1B8D  }
0x25: {  	_ =	swait.eq @p0 [sflag:s5], $0x1  }
0x26: {  	[sflag:s5] =	ssyncadd.s32 @p0 $0xFFFFFFFF  }
0x27: {  	s6 =	sshll.u32 @!p0 s1, $0xE  }
0x28: {  	s6 =	sor.u32 @!p0 $0x4000, s6;
	s5 =	simm.s32 @!p0 $0x1B8D  }
0x29: {  	s4 =	sshll.u32 @!p0 s4, $0x11;
	s6 =	sadd.s32 @!p0 $0x11B8D, s6;
	_ =	swait.eq @!p0 [sflag:s5], $0x1  }
0x2a: {  	s4 =	sor.u32 @!p0 s4, s6;
	[sflag:s5] =	ssyncadd.s32 @!p0 $0xFFFFFFFF  }
0x2b: {  	s26 =	simm.s32 $0x1B8E;
	s25 =	sld [smem:$0x3FFE];
	[sflag:s4] =	ssyncadd.remote.s32 @!p0 $0x1  }
0x2c: {  	s27 =	simm.s32 $execute0_lowered;
	[smem:$0x3FD2] =	sst s26  }
0x2d: {  	s5 =	sshll.u32 s27, $0x1;
	_ =	strace $0x8000004C;
	[dreg:$0x1] =	wrdreg $0xFFFFFFFF  }
0x2e: {  	s28 =	simm.s32 $_size_execute0_lowered;
	s3 =	sadd.s32 s3, s5;
	[dreg:$0x0] =	wrdreg $0x0  }
0x2f: {  	s5 =	sshll.u32 s28, $0x1;
	[dreg:$0x2] =	wrdreg s3  }
0x30: {  	[dreg:$0x3] =	wrdreg s5  }
0x31: {  	[dreg:$0x4] =	wrdreg $0xC0  }
0x32: {  	_ =	task [dreg:s23], $0x5FFFF  }
0x33: {  	[dreg:$0x1] =	wrdreg $0xFFFFFFFF  }
0x34: {  	[dreg:$0x0] =	wrdreg $0x60  }
0x35: {  	[dreg:$0x2] =	wrdreg s25  }
0x36: {  	[dreg:$0x3] =	wrdreg $0xB  }
0x37: {  	_ =	task.clear_ibuf [dreg:s23], $0x4FFFF;
	_ =	strace $0x9000004C  }
0x38: {  	s29 =	simm.s32 $0xB;
	_ =	strace $0x8000004E  }
0x39: {  	_ =	swait.ge [sflag:s29], $0x1  }
0x3a: {  	[sflag:s29] =	ssyncadd.s32 $0xFFFFFFFF  }
0x3b: {  	_ =	strace $0x9000004E  }
0x3c: {  	_ =	sfence  }
0x3d: {  	s30 =	sld [smem:$0x0];
	_ =	sdelay $0x2  }
0x3e: {  	s31 =	sshll.u32 s1, $0xD;
	s1 =	sshrl.u32 s1, $0x2  }
0x3f: {  	s4 =	sand.u32 $0x4000, s31;
	s1 =	sadd.s32 s1, s30  }
0x40: {  	s0 =	sor.u32 s4, s0;
	s1 =	sshll.u32 s1, $0x11  }
0x41: {  	s0 =	sor.u32 s1, s0  }
0x42: {  	s0 =	sadd.s32 $0x8F2B, s0  }
0x43: {  	[sflag:s0] =	ssyncadd.remote.s32 $0x1  }
0x44: {  	_ =	sfence.sel $0xFFFF  }
0x45: {  	[dreg:$0x0] =	wrdreg $0xFFFFFFFF;
	(pc) =	sbr.abs _section_cstart, $3  }
0x46: {  	[dreg:$0x1] =	wrdreg $0xFFFFFFFF  }
0x47: {  	_ =	task.clear_ibuf [dreg:s23], $0x2FFFF;
	_ =	strace $0x9FFFFFFF  }
0x48: {  	(tm) =	ssettm $0x7FFFFFFF  }
0x49: {  	_ =	shalt  }
tec
execute0_lowered:
.L_overlay_start_1:
0x0: {  	(tag) =	ssettag $0x1  }
0x1: {  	s1 =	rddreg [dreg:$0x0]  }
0x2: {  	s0 =	rddreg [dreg:$0x1];
	_ =	strace $0x8000004D  }
0x3: {  	s4 =	srdreg.scid;
	s6 =	simm.s32 $0x2;
	s11 =	simm.s32 $0x0  }
0x4: {  	p0 =	por $0x0, $0x0;
	s7 =	simm.s32 $0x6000;
	s12 =	simm.s32 $0x0  }
.Ltmp0:
0x5: {  	s9 =	simm.s32 $0x0;
	s8 =	simm.s32 $0x0;
	(pc) =	sbr.rel .LBB1_1-.Ltmp0, $4  }
0x6: {  	s2 =	sadd.s32 $0x602200, s1;
	s3 =	sadd.s32 $0x1202200, s1;
	s5 =	sshll.u32 s4, $0x4  }
0x7: {  	s1 =	stileid.u32;
	s4 =	simm.s32 $0x1;
	s5 =	sand.u32 $0x10, s5  }
0x8: {  	s18 =	simm.s32 $0x0;
	[sflag:s4] =	ssyncpa.u1 $0x0;
	s5 =	sor.u32 s1, s5  }
0x9: {  	[sflag:s6] =	ssyncpa.u1 $0x0;
	s6 =	simm.s32 $0x800;
	s10 =	smov.u32 s5  }
.LBB1_7:
0xa: {  	s13 =	sadd.s32 $0x8, s9  }
0xb: {  	s11 =	sadd.s32 $0x20, s10;
	s15 =	smov.u32 s10;
	p2 =	sgt.s32 s13, $0x5F  }
0xc: {  	p1 =	slt.u32 s8, $0x2;
	s15 =	smov.u32 @p2 s11  }
0xd: {  	s8 =	sadd.s32 $0x1, s8;
	s13 =	simm.s32 @p2 $0x0;
	p2 =	sgt.s32 s15, $0x1FF  }
0xe: {  	s15 =	smov.u32 @p2 s5;
	p2 =	sne.s32 s8, $0xC2  }
.Ltmp1:
0xf: {  	_ = 	snop;
	(pc) =	sbr.rel @!p2 .LBB1_8-.Ltmp1, $4  }
0x10: {  	s14 =	simm.s32 @!p1 $0x2  }
0x11: {  	s12 =	smov.u32 s10;
	_ =	swait.ge @!p1 [sflag:s14], $0x4000  }
0x12: {  	p0 =	por !p0, !p0;
	s11 =	smov.u32 s9;
	[sflag:s14] =	ssyncset.done @!p1 $0x0  }
0x13: {  	s9 =	smov.u32 s13;
	[sflag:s14] =	ssyncadd.s32 @!p1 $0xFFFFC000;
	s10 =	smov.u32 s15  }
.LBB1_1:
0x14: {  	p1 =	sgt.u32 s8, $0xBF  }
0x15: {  	s13 =	smul.u32 @!p1 $0x6000, s10  }
0x16: {  	s14 =	sxor.u32 @!p1 $0xFFFFFFFF, s8  }
0x17: {  	s15 =	sshll.u32 @!p1 s9, $0x8;
	s14 =	sshll.u32 @!p1 s14, $0xE;
	s13 =	sadd.s32 @!p1 s2, s13  }
0x18: {  	s14 =	sand.u32 @!p1 $0x4000, s14;
	s13 =	sadd.s32 @!p1 s15, s13;
	s15 =	simm.s32 @!p1 $0x0  }
0x19: {  	[tilespmem:s14], [sflag:$0x1] =	stream.linear.gather @!p1 [hbm4b:s13+s15], $0x4000, $0x38;
	[tilespmem:$0x10000] =	vst v63  }
0x1a: {  	p1 =	seq.s32 s8, $0x0  }
0x1b: {  	p2 =	seq.s32 @!p1 s8, $0xC1  }
0x1c: {  	p1 =	por p1, p2  }
.Ltmp2:
0x1d: {  	_ = 	snop;
	(pc) =	sbr.rel @p1 .LBB1_7-.Ltmp2, $1  }
0x1e: {  	_ =	sdelay $0x3  }
0x1f: {  	s13 =	simm.s32 $0x1  }
0x20: {  	_ =	swait.ge [sflag:s4], $0x4000;
	s31 =	sshll.u32 s8, $0xE;
	p1 =	por $0x0, $0x0  }
0x21: {  	s19 =	simm.s32 $0x0;
	s20 =	simm.s32 $0x0;
	s13 =	simm.s32 @!p0 $0x0  }
0x22: {  	[sflag:s4] =	ssyncset.done $0x0;
	s16 =	sand.u32 $0x4000, s31;
	s13 =	sshll.u32 s13, $0x10  }
0x23: {  	[sflag:s4] =	ssyncadd.s32 $0xFFFFC000;
	s17 =	sshrl.u32 s13, $0x2;
	s13 =	sor.u32 $0x8000, s16  }
0x24: {  	s14 =	sor.u32 $0x40, s17;
	s15 =	sor.u32 $0x8410, s17;
	s17 =	sadd.s32 $0x8400, s17  }
.LBB1_3:
0x25: {  	v1 =	vld [tilespmem:s14+$0xFFFFFFD0]  }
0x26: {  	v2 =	vld [tilespmem:s14+$0x430]  }
0x27: {  	s21 =	sshll.u32 s20, $0xB;
	v4 =	vld [tilespmem:s14+$0xFFFFFFE0]  }
0x28: {  	v7 =	vld [tilespmem:s14+$0xFFFFFFF0];
	v0 =	vmov s21  }
0x29: {  	v8 =	vld [tilespmem:s14+$0x0]  }
0x2a: {  	s30 =	sand.u32 $0x300, s18;
	v9 =	vld [tilespmem:s14+$0x10]  }
0x2b: {  	s22 =	sand.u32 $0x80, s18;
	v10 =	vld [tilespmem:s14+$0x20];
	s21 =	sadd.s32 s30, s16  }
0x2c: {  	v11 =	vld [tilespmem:s14+$0x30];
	s21 =	sadd.s32 s22, s21;
	s22 =	simm.s32 $0x1;
	[tilespmem:s15+$0x60] =	vst v2  }
0x2d: {  	s31 =	sshll.u32 s19, $0x2;
	s22 =	simm.s32 @!p1 $0x0;
	[tilespmem:s15+$0xFFFFFC00] =	vst v1;
	v3 =	vld.idx.msk [tilespmem:v0+s21+$0x400 ss:$0x1], $0xffff  }
0x2e: {  	v6 =	vld [tilespmem:s14+$0x3D0];
	s22 =	sshll.u32 s22, $0x9;
	[tilespmem:s15+$0xFFFFFC10] =	vst v4;
	s21 =	sand.u32 $0xFFFFFC00, s31  }
0x2f: {  	v5 =	vld [tilespmem:s14+$0x3E0];
	[tilespmem:s15+$0xFFFFFC20] =	vst v7;
	s21 =	sor.u32 s22, s21  }
0x30: {  	[tilespmem:s15+$0xFFFFFC30] =	vst v8;
	v4 =	vld [tilespmem:s14+$0x400];
	s21 =	sshrl.u32 s21, $0x2  }
0x31: {  	[tilespmem:s15+$0xFFFFFC40] =	vst v9;
	v1 =	vld [tilespmem:s14+$0x410];
	s21 =	sadd.s32 s21, s17  }
0x32: {  	[tilespmem:s21+$0x0] =	vst v3;
	v3 =	vld [tilespmem:s14+$0x3F0]  }
0x33: {  	s25 =	simm.s32 $0x80;
	s24 =	simm.s32 $0x100;
	[tilespmem:s15+$0xFFFFFC50] =	vst v10;
	v2 =	vld [tilespmem:s14+$0x420]  }
0x34: {  	s23 =	smov.u32 s15;
	s26 =	sand.u32 $0x300, s25;
	v7 =	vld [tilespmem:s14+$0xFFFFFFC0];
	[tilespmem:s15+$0xFFFFFC60] =	vst v11;
	s22 =	sadd.s32 $0x80, s14  }
.LBB1_4:
0x35: {  	p2 =	sne.s32 s24, $0x380;
	v8 =	vld [tilespmem:s22+$0xFFFFFFD0];
	s25 =	sand.u32 $0x80, s25;
	s26 =	sadd.s32 s26, s16;
	[tilespmem:s23+$0x0] =	vst v6  }
0x36: {  	s26 =	sadd.s32 s25, s26;
	v6 =	vld [tilespmem:s22+$0x430];
	[tilespmem:s23+$0x10] =	vst v5;
	s25 =	smov.u32 s24  }
0x37: {  	v5 =	vld.idx.msk [tilespmem:v0+s26+$0x400 ss:$0x1], $0xffff;
	[tilespmem:s23+$0x20] =	vst v3  }
0x38: {  	v3 =	vld [tilespmem:s22+$0xFFFFFFE0];
	[tilespmem:s23+$0x30] =	vst v4  }
0x39: {  	v4 =	vld [tilespmem:s22+$0xFFFFFFF0];
	[tilespmem:s23+$0xFFFFFBF0] =	vst v7  }
0x3a: {  	v7 =	vld [tilespmem:s22+$0x0];
	[tilespmem:s23+$0x40] =	vst v1  }
0x3b: {  	v1 =	vld [tilespmem:s22+$0x10];
	[tilespmem:s23+$0x50] =	vst v2;
	s23 =	sadd.s32 $0x800, s23  }
0x3c: {  	s21 =	sadd.s32 $0x800, s21;
	v2 =	vld [tilespmem:s22+$0x20];
	[tilespmem:s23+$0x60] =	vst v6  }
0x3d: {  	v9 =	vld [tilespmem:s22+$0x30];
	[tilespmem:s21+$0x0] =	vst v5  }
0x3e: {  	[tilespmem:s23+$0xFFFFFC00] =	vst v8;
	v6 =	vld [tilespmem:s22+$0x3D0]  }
0x3f: {  	[tilespmem:s23+$0xFFFFFC10] =	vst v3;
	v5 =	vld [tilespmem:s22+$0x3E0]  }
.Ltmp3:
0x40: {  	[tilespmem:s23+$0xFFFFFC20] =	vst v4;
	v3 =	vld [tilespmem:s22+$0x3F0];
	(pc) =	sbr.rel @p2 .LBB1_4-.Ltmp3, $4  }
0x41: {  	[tilespmem:s23+$0xFFFFFC30] =	vst v7;
	v4 =	vld [tilespmem:s22+$0x400]  }
0x42: {  	[tilespmem:s23+$0xFFFFFC40] =	vst v1;
	v1 =	vld [tilespmem:s22+$0x410]  }
0x43: {  	[tilespmem:s23+$0xFFFFFC50] =	vst v2;
	v2 =	vld [tilespmem:s22+$0x420]  }
0x44: {  	s24 =	sadd.s32 $0x80, s24;
	s26 =	sand.u32 $0x300, s25;
	v7 =	vld [tilespmem:s22+$0xFFFFFFC0];
	[tilespmem:s23+$0xFFFFFC60] =	vst v9;
	s22 =	sadd.s32 $0x80, s22  }
0x45: {  	[tilespmem:s23+$0x0] =	vst v6  }
0x46: {  	[tilespmem:s23+$0x10] =	vst v5  }
0x47: {  	v49 =	vld [tilespmem:s22+$0x430];
	[tilespmem:s23+$0x20] =	vst v3  }
0x48: {  	v50 =	vld [tilespmem:s22+$0xFFFFFFD0];
	[tilespmem:s23+$0x30] =	vst v4  }
0x49: {  	v51 =	vld [tilespmem:s22+$0xFFFFFFE0];
	[tilespmem:s23+$0x40] =	vst v1  }
0x4a: {  	v52 =	vld [tilespmem:s22+$0xFFFFFFF0];
	[tilespmem:s23+$0x50] =	vst v2  }
0x4b: {  	s31 =	sadd.s32 $0x800, s23;
	v53 =	vld [tilespmem:s22+$0x0];
	[tilespmem:s23+$0xFFFFFBF0] =	vst v7  }
0x4c: {  	v54 =	vld [tilespmem:s22+$0x10];
	[tilespmem:s31+$0x60] =	vst v49  }
0x4d: {  	v55 =	vld [tilespmem:s22+$0x20];
	[tilespmem:s31+$0xFFFFFC00] =	vst v50  }
0x4e: {  	v56 =	vld [tilespmem:s22+$0x30];
	[tilespmem:s31+$0xFFFFFC10] =	vst v51  }
0x4f: {  	v57 =	vld [tilespmem:s22+$0x3D0];
	[tilespmem:s31+$0xFFFFFC20] =	vst v52  }
0x50: {  	v58 =	vld [tilespmem:s22+$0x3E0];
	[tilespmem:s31+$0xFFFFFC30] =	vst v53  }
0x51: {  	v59 =	vld [tilespmem:s22+$0x3F0];
	[tilespmem:s31+$0xFFFFFC40] =	vst v54  }
0x52: {  	v60 =	vld [tilespmem:s22+$0x400];
	[tilespmem:s31+$0xFFFFFC50] =	vst v55  }
0x53: {  	v61 =	vld [tilespmem:s22+$0xFFFFFFC0];
	[tilespmem:s31+$0xFFFFFC60] =	vst v56  }
0x54: {  	s24 =	sand.u32 $0x80, s25;
	s30 =	sadd.s32 s26, s16;
	v62 =	vld [tilespmem:s22+$0x410];
	[tilespmem:s31+$0x0] =	vst v57  }
0x55: {  	v63 =	vld [tilespmem:s22+$0x420];
	s20 =	sadd.s32 $0x1, s20;
	s24 =	sadd.s32 s24, s30;
	[tilespmem:s31+$0x10] =	vst v58  }
0x56: {  	p2 =	sne.s32 s20, $0x8;
	v0 =	vld.idx.msk [tilespmem:v0+s24+$0x400 ss:$0x1], $0xffff;
	[tilespmem:s31+$0x20] =	vst v59  }
.Ltmp4:
0x57: {  	[tilespmem:s31+$0x30] =	vst v60;
	(pc) =	sbr.rel @p2 .LBB1_3-.Ltmp4, $4  }
0x58: {  	[tilespmem:s31+$0xFFFFFBF0] =	vst v61  }
0x59: {  	[tilespmem:s31+$0x40] =	vst v62  }
0x5a: {  	s21 =	sadd.s32 $0x800, s21;
	s14 =	sadd.s32 $0x800, s14;
	[tilespmem:s31+$0x50] =	vst v63  }
0x5b: {  	s19 =	sadd.s32 $0x80, s19;
	p1 =	por !p1, !p1;
	s15 =	sadd.s32 $0x80, s15;
	[tilespmem:s21+$0x0] =	vst v0  }
0x5c: {  	s14 =	sshll.u32 s11, $0x8;
	s15 =	sshll.u32 s11, $0x7  }
0x5d: {  	s14 =	sand.u32 $0xFFFFF800, s14;
	s15 =	sand.u32 $0x300, s15  }
0x5e: {  	s14 =	sor.u32 s15, s14  }
0x5f: {  	s14 =	sshrl.u32 s14, $0x8  }
0x60: {  	s30 =	smulhi.u32 $0x2AAAAAB, s14  }
0x61: {  	s12 =	smul.u32 $0x6000, s12  }
0x62: {  	s15 =	smul.u32 $0x60, s30  }
.Ltmp5:
0x63: {  	s31 =	sshll.u32 s11, $0x4;
	(pc) =	sbr.rel .LBB1_7-.Ltmp5, $4  }
0x64: {  	s11 =	sand.u32 $0x10, s31;
	s12 =	sadd.s32 s3, s12;
	s14 =	ssub.s32 s14, s15  }
0x65: {  	s11 =	sadd.s32 s11, s12;
	s14 =	sshll.u32 s14, $0x5  }
0x66: {  	s11 =	sadd.s32 s14, s11  }
0x67: {  	[hbm4b:s11+s6] =	stream.strided.scatter [tilespmem:s13], [sflag:$0x2], $0x4000, s7, s6, $0x38;
	[tilespmem:$0x10000] =	vst v63  }
.LBB1_8:
0x68: {  	_ =	sfence.sel $0x180000  }
0x69: {  	s2 =	simm.s32 $0x1;
	[bflag:$0x0] =	sbarrier.arrive $0xFFFF  }
0x6a: {  	s31 =	simm.s32 $0x2;
	[sflag:s2] =	ssyncpa.u1 $0x1  }
0x6b: {  	[sflag:s31] =	ssyncpa.u1 $0x1  }
0x6c: {  	p0 =	sne.s32 s1, $0x0;
	_ =	strace $0x9000004D  }
0x6d: {  	s0 =	sadd.s32 @!p0 $0x100000, s0;
	[bflag:$0x2] =	sbarrier.arrive $0xFFFF  }
0x6e: {  	[sflag:s0] =	ssyncadd.tile.s32 @!p0 $0x1;
	_ =	shalt  }
.Lfunc_end1:
_tile_overlayer_lowered:
.L_overlay_start_2:
0x6f: {  	(tag) =	ssettag $0x2  }
0x70: {  	s0 =	rddreg [dreg:$0x0];
	s2 =	stileid.u32  }
0x71: {  	s1 =	rddreg [dreg:$0x1];
	p0 =	sne.s32 s2, $0x0  }
0x72: {  	s3 =	rddreg [dreg:$0x2];
	[bflag:$0x3] =	sbarrier.arrive $0xFFFF;
	s2 =	simm.s32 @!p0 $0x1C01  }
0x73: {  	[timem:s3], [sflag:s2] =	dma.local @!p0 [hbm:s0], s1  }
0x74: {  	s0 =	simm.s32 @!p0 $0x1  }
0x75: {  	_ =	swait.ge @!p0 [sflag:s0], s1  }
0x76: {  	s1 =	ssub.s32 @!p0 $0x0, s1;
	[sflag:s0] =	ssyncset.done @!p0 $0x0  }
0x77: {  	[sflag:s0] =	ssyncadd.s32 @!p0 s1  }
0x78: {  	[bflag:$0x3] =	sbarrier.arrive $0xFFFF  }
0x79: {  	_ =	shalt  }

// kernel: sparse-core-data-format-call.cloned.1.call-start
scs
called_computation_lowered:
.L_overlay_start_0:
0x0: {  	s2 =	sld [smem:$0x3FD9]  }
0x1: {  	s3 =	sld [smem:$0x3FFE];
	_ =	sdelay $0x1  }
0x2: {  	s1 =	srdreg.scid  }
0x3: {  	s0 =	sand.u32 $0x1, s1  }
0x4: {  	s18 =	sshll.u32 s0, $0xA;
	s2 =	sadd.s32 s3, s2  }
0x5: {  	s2 =	sadd.s32 s2, s18  }
0x6: {  	[smem:$0x3FBE] =	sst s2  }
0x7: {  	_ = 	snop  }
0x8: {  	s19 =	sld [smem:$0x3FC0];
	(tm) =	ssettm $0x1  }
0x9: {  	s20 =	sld [smem:$0x3FFB];
	_ =	sdelay $0x3  }
0xa: {  	_ =	strace s20  }
0xb: {  	s2 =	sld [smem:$0x3FFC];
	_ =	sdelay $0x3  }
0xc: {  	_ =	strace s2  }
0xd: {  	s2 =	sld [smem:$0x3FFD];
	_ =	sdelay $0x3  }
0xe: {  	_ =	strace s2  }
0xf: {  	_ =	strace $0x8FFFFFFF  }
0x10: {  	s21 =	sld [smem:$0x3FDB];
	_ =	sdelay $0x1  }
0x11: {  	s4 =	simm.s32 $_scs_section_size  }
0x12: {  	s5 =	simm.s32 $_size__tile_overlayer_lowered;
	s6 =	simm.s32 $_tile_overlayer_lowered  }
0x13: {  	s7 =	simm.s32 $0x1BFF;
	s22 =	sshll.u32 s6, $0x1;
	s4 =	sadd.s32 s4, s21  }
0x14: {  	s23 =	simm.s32 $0x0;
	s5 =	sshll.u32 s5, $0x1;
	s6 =	sadd.s32 s22, s4  }
0x15: {  	[timem:s23], [sflag:s7] =	dma.local [hbm:s6], s5  }
0x16: {  	_ =	swait.ge [sflag:s7], s5  }
0x17: {  	s5 =	ssub.s32 $0x0, s5;
	[sflag:s7] =	ssyncset.done $0x0  }
0x18: {  	[sflag:s7] =	ssyncadd.s32 s5;
	_ =	sdelay $0x1  }
0x19: {  	s24 =	simm.s32 $0x1B8B  }
0x1a: {  	_ =	swait.ge [sflag:s24], $0x1  }
0x1b: {  	[sflag:s24] =	ssyncset.done $0x0  }
0x1c: {  	[sflag:s24] =	ssyncadd.s32 $0xFFFFFFFF  }
0x1d: {  	s5 =	sld [smem:$0x0]  }
0x1e: {  	s6 =	sand.u32 $0xFFFFFFFE, s1  }
0x1f: {  	p0 =	sne.s32 s1, s6  }
0x20: {  	s6 =	sshll.u32 @p0 s6, $0xE  }
0x21: {  	s6 =	sadd.s32 @p0 $0x11B8D, s6;
	s7 =	sshll.u32 @p0 s5, $0x11  }
0x22: {  	s6 =	sor.u32 @p0 s7, s6  }
0x23: {  	[sflag:s6] =	ssyncadd.remote.s32 @p0 $0x1;
	_ =	sdelay $0x1  }
0x24: {  	s6 =	simm.s32 @p0 $0x1B8D  }
0x25: {  	_ =	swait.eq @p0 [sflag:s6], $0x1  }
0x26: {  	[sflag:s6] =	ssyncadd.s32 @p0 $0xFFFFFFFF  }
0x27: {  	s7 =	sshll.u32 @!p0 s1, $0xE  }
0x28: {  	s7 =	sor.u32 @!p0 $0x4000, s7;
	s6 =	simm.s32 @!p0 $0x1B8D  }
0x29: {  	s5 =	sshll.u32 @!p0 s5, $0x11;
	s7 =	sadd.s32 @!p0 $0x11B8D, s7;
	_ =	swait.eq @!p0 [sflag:s6], $0x1  }
0x2a: {  	s5 =	sor.u32 @!p0 s5, s7;
	[sflag:s6] =	ssyncadd.s32 @!p0 $0xFFFFFFFF  }
0x2b: {  	s26 =	simm.s32 $0x1B8E;
	s25 =	sld [smem:$0x3FFE];
	[sflag:s5] =	ssyncadd.remote.s32 @!p0 $0x1  }
0x2c: {  	s27 =	simm.s32 $execute0_lowered;
	[smem:$0x3FD2] =	sst s26  }
0x2d: {  	s6 =	sshll.u32 s27, $0x1;
	_ =	strace $0x80000049;
	[dreg:$0x1] =	wrdreg $0xFFFFFFFF  }
0x2e: {  	s28 =	simm.s32 $_size_execute0_lowered;
	s4 =	sadd.s32 s4, s6;
	[dreg:$0x0] =	wrdreg $0x0  }
0x2f: {  	s6 =	sshll.u32 s28, $0x1;
	[dreg:$0x2] =	wrdreg s4  }
0x30: {  	[dreg:$0x3] =	wrdreg s6  }
0x31: {  	[dreg:$0x4] =	wrdreg $0xC0  }
0x32: {  	_ =	task [dreg:s23], $0x5FFFF  }
0x33: {  	[dreg:$0x1] =	wrdreg $0xFFFFFFFF  }
0x34: {  	[dreg:$0x0] =	wrdreg $0x60  }
0x35: {  	[dreg:$0x2] =	wrdreg s19  }
0x36: {  	[dreg:$0x3] =	wrdreg s25  }
0x37: {  	[dreg:$0x4] =	wrdreg $0x9  }
0x38: {  	_ =	task.clear_ibuf [dreg:s23], $0x5FFFF;
	_ =	strace $0x90000049  }
0x39: {  	s29 =	simm.s32 $0x9;
	_ =	strace $0x8000004B  }
0x3a: {  	_ =	swait.ge [sflag:s29], $0x1  }
0x3b: {  	[sflag:s29] =	ssyncadd.s32 $0xFFFFFFFF  }
0x3c: {  	_ =	strace $0x9000004B  }
0x3d: {  	_ =	sfence  }
0x3e: {  	s30 =	sld [smem:$0x0];
	_ =	sdelay $0x2  }
0x3f: {  	s31 =	sshll.u32 s1, $0xD;
	s1 =	sshrl.u32 s1, $0x2  }
0x40: {  	s4 =	sand.u32 $0x4000, s31;
	s1 =	sadd.s32 s1, s30  }
0x41: {  	s0 =	sor.u32 s4, s0;
	s1 =	sshll.u32 s1, $0x11  }
0x42: {  	s0 =	sor.u32 s1, s0  }
0x43: {  	s0 =	sadd.s32 $0x8F2B, s0  }
0x44: {  	[sflag:s0] =	ssyncadd.remote.s32 $0x1  }
0x45: {  	_ =	sfence.sel $0xFFFF  }
0x46: {  	[dreg:$0x0] =	wrdreg $0xFFFFFFFF;
	(pc) =	sbr.abs _section_cstart, $3  }
0x47: {  	[dreg:$0x1] =	wrdreg $0xFFFFFFFF  }
0x48: {  	_ =	task.clear_ibuf [dreg:s23], $0x2FFFF;
	_ =	strace $0x9FFFFFFF  }
0x49: {  	(tm) =	ssettm $0x7FFFFFFF  }
tec
execute0_lowered:
.L_overlay_start_1:
0x0: {  	(tag) =	ssettag $0x1  }
0x1: {  	s2 =	rddreg [dreg:$0x0]  }
0x2: {  	s1 =	rddreg [dreg:$0x1]  }
0x3: {  	s0 =	rddreg [dreg:$0x2]  }
0x4: {  	_ =	strace $0x8000004A;
	s4 =	srdreg.scid;
	s6 =	simm.s32 $0x2  }
0x5: {  	s11 =	simm.s32 $0x0;
	p0 =	por $0x0, $0x0;
	s7 =	simm.s32 $0x6000  }
.Ltmp0:
0x6: {  	s12 =	simm.s32 $0x0;
	s9 =	simm.s32 $0x0;
	(pc) =	sbr.rel .LBB1_1-.Ltmp0, $4  }
0x7: {  	s8 =	simm.s32 $0x0;
	s3 =	sadd.s32 $0x302200, s1;
	s5 =	sshll.u32 s4, $0x4  }
0x8: {  	s1 =	stileid.u32;
	s4 =	simm.s32 $0x1;
	s5 =	sand.u32 $0x10, s5  }
0x9: {  	s18 =	simm.s32 $0x0;
	[sflag:s4] =	ssyncpa.u1 $0x0;
	s5 =	sor.u32 s1, s5  }
0xa: {  	[sflag:s6] =	ssyncpa.u1 $0x0;
	s6 =	simm.s32 $0x800;
	s10 =	smov.u32 s5  }
.LBB1_7:
0xb: {  	s13 =	sadd.s32 $0x8, s9  }
0xc: {  	s11 =	sadd.s32 $0x20, s10;
	s15 =	smov.u32 s10;
	p2 =	sgt.s32 s13, $0x5F  }
0xd: {  	p1 =	slt.u32 s8, $0x2;
	s15 =	smov.u32 @p2 s11  }
0xe: {  	s8 =	sadd.s32 $0x1, s8;
	s13 =	simm.s32 @p2 $0x0;
	p2 =	sgt.s32 s15, $0x7F  }
0xf: {  	s15 =	smov.u32 @p2 s5;
	p2 =	sne.s32 s8, $0x32  }
.Ltmp1:
0x10: {  	_ = 	snop;
	(pc) =	sbr.rel @!p2 .LBB1_8-.Ltmp1, $4  }
0x11: {  	s14 =	simm.s32 @!p1 $0x2  }
0x12: {  	s12 =	smov.u32 s10;
	_ =	swait.ge @!p1 [sflag:s14], $0x4000  }
0x13: {  	p0 =	por !p0, !p0;
	s11 =	smov.u32 s9;
	[sflag:s14] =	ssyncset.done @!p1 $0x0  }
0x14: {  	s9 =	smov.u32 s13;
	[sflag:s14] =	ssyncadd.s32 @!p1 $0xFFFFC000;
	s10 =	smov.u32 s15  }
.LBB1_1:
0x15: {  	p1 =	sgt.u32 s8, $0x2F  }
0x16: {  	s13 =	smul.u32 @!p1 $0x6000, s10  }
0x17: {  	s14 =	sxor.u32 @!p1 $0xFFFFFFFF, s8  }
0x18: {  	s15 =	sshll.u32 @!p1 s9, $0x8;
	s14 =	sshll.u32 @!p1 s14, $0xE;
	s13 =	sadd.s32 @!p1 s2, s13  }
0x19: {  	s14 =	sand.u32 @!p1 $0x4000, s14;
	s13 =	sadd.s32 @!p1 s15, s13;
	s15 =	simm.s32 @!p1 $0x0  }
0x1a: {  	[tilespmem:s14], [sflag:$0x1] =	stream.linear.gather @!p1 [hbm4b:s13+s15], $0x4000, $0x38;
	[tilespmem:$0x10000] =	vst v63  }
0x1b: {  	p1 =	seq.s32 s8, $0x0  }
0x1c: {  	p2 =	seq.s32 @!p1 s8, $0x31  }
0x1d: {  	p1 =	por p1, p2  }
.Ltmp2:
0x1e: {  	_ = 	snop;
	(pc) =	sbr.rel @p1 .LBB1_7-.Ltmp2, $1  }
0x1f: {  	_ =	sdelay $0x3  }
0x20: {  	s13 =	simm.s32 $0x1  }
0x21: {  	_ =	swait.ge [sflag:s4], $0x4000;
	s31 =	sshll.u32 s8, $0xE;
	p1 =	por $0x0, $0x0  }
0x22: {  	s19 =	simm.s32 $0x0;
	s20 =	simm.s32 $0x0;
	s13 =	simm.s32 @!p0 $0x0  }
0x23: {  	[sflag:s4] =	ssyncset.done $0x0;
	s16 =	sand.u32 $0x4000, s31;
	s13 =	sshll.u32 s13, $0x10  }
0x24: {  	[sflag:s4] =	ssyncadd.s32 $0xFFFFC000;
	s17 =	sshrl.u32 s13, $0x2;
	s13 =	sor.u32 $0x8000, s16  }
0x25: {  	s14 =	sor.u32 $0x40, s17;
	s15 =	sor.u32 $0x8410, s17;
	s17 =	sadd.s32 $0x8400, s17  }
.LBB1_3:
0x26: {  	v1 =	vld [tilespmem:s14+$0xFFFFFFD0]  }
0x27: {  	v2 =	vld [tilespmem:s14+$0x430]  }
0x28: {  	s21 =	sshll.u32 s20, $0xB;
	v4 =	vld [tilespmem:s14+$0xFFFFFFE0]  }
0x29: {  	v7 =	vld [tilespmem:s14+$0xFFFFFFF0];
	v0 =	vmov s21  }
0x2a: {  	v8 =	vld [tilespmem:s14+$0x0]  }
0x2b: {  	s30 =	sand.u32 $0x300, s18;
	v9 =	vld [tilespmem:s14+$0x10]  }
0x2c: {  	s22 =	sand.u32 $0x80, s18;
	v10 =	vld [tilespmem:s14+$0x20];
	s21 =	sadd.s32 s30, s16  }
0x2d: {  	v11 =	vld [tilespmem:s14+$0x30];
	s21 =	sadd.s32 s22, s21;
	s22 =	simm.s32 $0x1;
	[tilespmem:s15+$0x60] =	vst v2  }
0x2e: {  	s31 =	sshll.u32 s19, $0x2;
	s22 =	simm.s32 @!p1 $0x0;
	[tilespmem:s15+$0xFFFFFC00] =	vst v1;
	v3 =	vld.idx.msk [tilespmem:v0+s21+$0x400 ss:$0x1], $0xffff  }
0x2f: {  	v6 =	vld [tilespmem:s14+$0x3D0];
	s22 =	sshll.u32 s22, $0x9;
	[tilespmem:s15+$0xFFFFFC10] =	vst v4;
	s21 =	sand.u32 $0xFFFFFC00, s31  }
0x30: {  	v5 =	vld [tilespmem:s14+$0x3E0];
	[tilespmem:s15+$0xFFFFFC20] =	vst v7;
	s21 =	sor.u32 s22, s21  }
0x31: {  	[tilespmem:s15+$0xFFFFFC30] =	vst v8;
	v4 =	vld [tilespmem:s14+$0x400];
	s21 =	sshrl.u32 s21, $0x2  }
0x32: {  	[tilespmem:s15+$0xFFFFFC40] =	vst v9;
	v1 =	vld [tilespmem:s14+$0x410];
	s21 =	sadd.s32 s21, s17  }
0x33: {  	[tilespmem:s21+$0x0] =	vst v3;
	v3 =	vld [tilespmem:s14+$0x3F0]  }
0x34: {  	s25 =	simm.s32 $0x80;
	s24 =	simm.s32 $0x100;
	[tilespmem:s15+$0xFFFFFC50] =	vst v10;
	v2 =	vld [tilespmem:s14+$0x420]  }
0x35: {  	s23 =	smov.u32 s15;
	s26 =	sand.u32 $0x300, s25;
	v7 =	vld [tilespmem:s14+$0xFFFFFFC0];
	[tilespmem:s15+$0xFFFFFC60] =	vst v11;
	s22 =	sadd.s32 $0x80, s14  }
.LBB1_4:
0x36: {  	p2 =	sne.s32 s24, $0x380;
	v8 =	vld [tilespmem:s22+$0xFFFFFFD0];
	s25 =	sand.u32 $0x80, s25;
	s26 =	sadd.s32 s26, s16;
	[tilespmem:s23+$0x0] =	vst v6  }
0x37: {  	s26 =	sadd.s32 s25, s26;
	v6 =	vld [tilespmem:s22+$0x430];
	[tilespmem:s23+$0x10] =	vst v5;
	s25 =	smov.u32 s24  }
0x38: {  	v5 =	vld.idx.msk [tilespmem:v0+s26+$0x400 ss:$0x1], $0xffff;
	[tilespmem:s23+$0x20] =	vst v3  }
0x39: {  	v3 =	vld [tilespmem:s22+$0xFFFFFFE0];
	[tilespmem:s23+$0x30] =	vst v4  }
0x3a: {  	v4 =	vld [tilespmem:s22+$0xFFFFFFF0];
	[tilespmem:s23+$0xFFFFFBF0] =	vst v7  }
0x3b: {  	v7 =	vld [tilespmem:s22+$0x0];
	[tilespmem:s23+$0x40] =	vst v1  }
0x3c: {  	v1 =	vld [tilespmem:s22+$0x10];
	[tilespmem:s23+$0x50] =	vst v2;
	s23 =	sadd.s32 $0x800, s23  }
0x3d: {  	s21 =	sadd.s32 $0x800, s21;
	v2 =	vld [tilespmem:s22+$0x20];
	[tilespmem:s23+$0x60] =	vst v6  }
0x3e: {  	v9 =	vld [tilespmem:s22+$0x30];
	[tilespmem:s21+$0x0] =	vst v5  }
0x3f: {  	[tilespmem:s23+$0xFFFFFC00] =	vst v8;
	v6 =	vld [tilespmem:s22+$0x3D0]  }
0x40: {  	[tilespmem:s23+$0xFFFFFC10] =	vst v3;
	v5 =	vld [tilespmem:s22+$0x3E0]  }
.Ltmp3:
0x41: {  	[tilespmem:s23+$0xFFFFFC20] =	vst v4;
	v3 =	vld [tilespmem:s22+$0x3F0];
	(pc) =	sbr.rel @p2 .LBB1_4-.Ltmp3, $4  }
0x42: {  	[tilespmem:s23+$0xFFFFFC30] =	vst v7;
	v4 =	vld [tilespmem:s22+$0x400]  }
0x43: {  	[tilespmem:s23+$0xFFFFFC40] =	vst v1;
	v1 =	vld [tilespmem:s22+$0x410]  }
0x44: {  	[tilespmem:s23+$0xFFFFFC50] =	vst v2;
	v2 =	vld [tilespmem:s22+$0x420]  }
0x45: {  	s24 =	sadd.s32 $0x80, s24;
	s26 =	sand.u32 $0x300, s25;
	v7 =	vld [tilespmem:s22+$0xFFFFFFC0];
	[tilespmem:s23+$0xFFFFFC60] =	vst v9;
	s22 =	sadd.s32 $0x80, s22  }
0x46: {  	[tilespmem:s23+$0x0] =	vst v6  }
0x47: {  	[tilespmem:s23+$0x10] =	vst v5  }
0x48: {  	v49 =	vld [tilespmem:s22+$0x430];
	[tilespmem:s23+$0x20] =	vst v3  }
0x49: {  	v50 =	vld [tilespmem:s22+$0xFFFFFFD0];
	[tilespmem:s23+$0x30] =	vst v4  }
0x4a: {  	v51 =	vld [tilespmem:s22+$0xFFFFFFE0];
	[tilespmem:s23+$0x40] =	vst v1  }
0x4b: {  	v52 =	vld [tilespmem:s22+$0xFFFFFFF0];
	[tilespmem:s23+$0x50] =	vst v2  }
0x4c: {  	s31 =	sadd.s32 $0x800, s23;
	v53 =	vld [tilespmem:s22+$0x0];
	[tilespmem:s23+$0xFFFFFBF0] =	vst v7  }
0x4d: {  	v54 =	vld [tilespmem:s22+$0x10];
	[tilespmem:s31+$0x60] =	vst v49  }
0x4e: {  	v55 =	vld [tilespmem:s22+$0x20];
	[tilespmem:s31+$0xFFFFFC00] =	vst v50  }
0x4f: {  	v56 =	vld [tilespmem:s22+$0x30];
	[tilespmem:s31+$0xFFFFFC10] =	vst v51  }
0x50: {  	v57 =	vld [tilespmem:s22+$0x3D0];
	[tilespmem:s31+$0xFFFFFC20] =	vst v52  }
0x51: {  	v58 =	vld [tilespmem:s22+$0x3E0];
	[tilespmem:s31+$0xFFFFFC30] =	vst v53  }
0x52: {  	v59 =	vld [tilespmem:s22+$0x3F0];
	[tilespmem:s31+$0xFFFFFC40] =	vst v54  }
0x53: {  	v60 =	vld [tilespmem:s22+$0x400];
	[tilespmem:s31+$0xFFFFFC50] =	vst v55  }
0x54: {  	v61 =	vld [tilespmem:s22+$0xFFFFFFC0];
	[tilespmem:s31+$0xFFFFFC60] =	vst v56  }
0x55: {  	s24 =	sand.u32 $0x80, s25;
	s30 =	sadd.s32 s26, s16;
	v62 =	vld [tilespmem:s22+$0x410];
	[tilespmem:s31+$0x0] =	vst v57  }
0x56: {  	v63 =	vld [tilespmem:s22+$0x420];
	s20 =	sadd.s32 $0x1, s20;
	s24 =	sadd.s32 s24, s30;
	[tilespmem:s31+$0x10] =	vst v58  }
0x57: {  	p2 =	sne.s32 s20, $0x8;
	v0 =	vld.idx.msk [tilespmem:v0+s24+$0x400 ss:$0x1], $0xffff;
	[tilespmem:s31+$0x20] =	vst v59  }
.Ltmp4:
0x58: {  	[tilespmem:s31+$0x30] =	vst v60;
	(pc) =	sbr.rel @p2 .LBB1_3-.Ltmp4, $4  }
0x59: {  	[tilespmem:s31+$0xFFFFFBF0] =	vst v61  }
0x5a: {  	[tilespmem:s31+$0x40] =	vst v62  }
0x5b: {  	s21 =	sadd.s32 $0x800, s21;
	s14 =	sadd.s32 $0x800, s14;
	[tilespmem:s31+$0x50] =	vst v63  }
0x5c: {  	s19 =	sadd.s32 $0x80, s19;
	p1 =	por !p1, !p1;
	s15 =	sadd.s32 $0x80, s15;
	[tilespmem:s21+$0x0] =	vst v0  }
0x5d: {  	s14 =	sshll.u32 s11, $0x8;
	s15 =	sshll.u32 s11, $0x7  }
0x5e: {  	s14 =	sand.u32 $0xFFFFF800, s14;
	s15 =	sand.u32 $0x300, s15  }
0x5f: {  	s14 =	sor.u32 s15, s14  }
0x60: {  	s14 =	sshrl.u32 s14, $0x8  }
0x61: {  	s30 =	smulhi.u32 $0x2AAAAAB, s14  }
0x62: {  	s12 =	smul.u32 $0x6000, s12  }
0x63: {  	s15 =	smul.u32 $0x60, s30  }
.Ltmp5:
0x64: {  	s31 =	sshll.u32 s11, $0x4;
	(pc) =	sbr.rel .LBB1_7-.Ltmp5, $4  }
0x65: {  	s11 =	sand.u32 $0x10, s31;
	s12 =	sadd.s32 s3, s12;
	s14 =	ssub.s32 s14, s15  }
0x66: {  	s11 =	sadd.s32 s11, s12;
	s14 =	sshll.u32 s14, $0x5  }
0x67: {  	s11 =	sadd.s32 s14, s11  }
0x68: {  	[hbm4b:s11+s6] =	stream.strided.scatter [tilespmem:s13], [sflag:$0x2], $0x4000, s7, s6, $0x38;
	[tilespmem:$0x10000] =	vst v63  }
.LBB1_8:
0x69: {  	_ =	sfence.sel $0x180000  }
0x6a: {  	s2 =	simm.s32 $0x1;
	[bflag:$0x0] =	sbarrier.arrive $0xFFFF  }
0x6b: {  	s31 =	simm.s32 $0x2;
	[sflag:s2] =	ssyncpa.u1 $0x1  }
0x6c: {  	[sflag:s31] =	ssyncpa.u1 $0x1  }
0x6d: {  	p0 =	sne.s32 s1, $0x0;
	_ =	strace $0x9000004A  }
0x6e: {  	s0 =	sadd.s32 @!p0 $0x100000, s0;
	[bflag:$0x2] =	sbarrier.arrive $0xFFFF  }
0x6f: {  	[sflag:s0] =	ssyncadd.tile.s32 @!p0 $0x1;
	_ =	shalt  }
.Lfunc_end1:
_tile_overlayer_lowered:
.L_overlay_start_2:
0x70: {  	(tag) =	ssettag $0x2  }
0x71: {  	s0 =	rddreg [dreg:$0x0];
	s2 =	stileid.u32  }
0x72: {  	s1 =	rddreg [dreg:$0x1];
	p0 =	sne.s32 s2, $0x0  }
0x73: {  	s3 =	rddreg [dreg:$0x2];
	[bflag:$0x3] =	sbarrier.arrive $0xFFFF;
	s2 =	simm.s32 @!p0 $0x1C01  }
0x74: {  	[timem:s3], [sflag:s2] =	dma.local @!p0 [hbm:s0], s1  }
0x75: {  	s0 =	simm.s32 @!p0 $0x1  }
0x76: {  	_ =	swait.ge @!p0 [sflag:s0], s1  }
0x77: {  	s1 =	ssub.s32 @!p0 $0x0, s1;
	[sflag:s0] =	ssyncset.done @!p0 $0x0  }
0x78: {  	[sflag:s0] =	ssyncadd.s32 @!p0 s1  }
0x79: {  	[bflag:$0x3] =	sbarrier.arrive $0xFFFF  }
0x7a: {  	_ =	shalt  }

</sc_bundles>
